<compile_context>
chip_gen: v7x
topology: tpu7x:2x2x1
jax: 0.10.2.dev20260603
libtpu: 0.0.44.dev20260713+nightly
codegen_flags: <defaults>
</compile_context>

<pallas_src>
import jax
import jax.numpy as jnp
from jax.experimental import pallas as pl
from jax.experimental.pallas import tpu as pltpu
from jax.experimental.pallas import tpu_sc as plsc
from jax import lax

_NW = 32
_NBUF = 2
_L = 16


def kernel(indices, table):
    B, H = indices.shape
    V, D = table.shape
    idx_t = jnp.transpose(indices).astype(jnp.int32)
    per_w = B // _NW

    mesh = plsc.VectorSubcoreMesh(core_axis_name="core", subcore_axis_name="subcore")

    @pl.kernel(
        out_type=jax.ShapeDtypeStruct((H, D, B), table.dtype),
        mesh=mesh,
        compiler_params=pltpu.CompilerParams(
            use_tc_tiling_on_sc=False, needs_layout_passes=False),
        scratch_types=(
            [pltpu.VMEM((H, per_w), jnp.int32)]
            + [pltpu.VMEM((per_w, D), jnp.float32) for _ in range(_NBUF)]
            + [pltpu.VMEM((D, per_w + 1), jnp.float32) for _ in range(_NBUF)]
            + [pltpu.SemaphoreType.DMA for _ in range(2 * _NBUF + 1)]
        ),
    )
    def gather_kernel(x_hbm, i_hbm, o_hbm, idx_v, *rest):
        bufs = rest[:_NBUF]
        tbufs = rest[_NBUF:2 * _NBUF]
        gsems = rest[2 * _NBUF:3 * _NBUF]
        wsems = rest[3 * _NBUF:4 * _NBUF]
        isem = rest[4 * _NBUF]
        wid = lax.axis_index("subcore") * 2 + lax.axis_index("core")
        base = wid * per_w
        pltpu.async_copy(i_hbm.at[:, pl.ds(base, per_w)], idx_v, isem).wait()

        def start_gather(h, b):
            pltpu.async_copy(x_hbm.at[idx_v.at[h]], bufs[b], gsems[b])

        for b in range(_NBUF):
            start_gather(b, b)

        @pl.loop(0, H, step=_NBUF)
        def _(r):
            for b in range(_NBUF):
                cur = r + b
                pltpu.make_async_copy(x_hbm.at[idx_v.at[0]], bufs[b], gsems[b]).wait()

                @pl.when(cur >= _NBUF)
                def _():
                    pltpu.make_async_copy(
                        tbufs[b].at[:, pl.ds(0, per_w)],
                        o_hbm.at[0, :, pl.ds(base, per_w)], wsems[b]).wait()

                d_lo = jnp.arange(_L, dtype=jnp.int32)
                d_hi = d_lo + _L

                @pl.loop(0, per_w, step=16)
                def _(v0):
                    for j in range(16):
                        v = v0 + j
                        cols = jnp.full((_L,), v, jnp.int32)
                        plsc.store_scatter(
                            tbufs[b], [d_lo, cols], bufs[b][v, pl.ds(0, _L)])
                        plsc.store_scatter(
                            tbufs[b], [d_hi, cols], bufs[b][v, pl.ds(_L, _L)])

                pltpu.async_copy(
                    tbufs[b].at[:, pl.ds(0, per_w)],
                    o_hbm.at[cur, :, pl.ds(base, per_w)], wsems[b])

                @pl.when(cur + _NBUF < H)
                def _():
                    start_gather(cur + _NBUF, b)

        for b in range(_NBUF):
            pltpu.make_async_copy(
                tbufs[b].at[:, pl.ds(0, per_w)],
                o_hbm.at[0, :, pl.ds(base, per_w)], wsems[b]).wait()

    out_t = gather_kernel(table, idx_t)
    return jnp.transpose(out_t, (2, 0, 1))

# --- scband reference (transcript-rebuilt; emitter-appended) ---
"""Pipeline reference for scband-embedding-module-30923764532053 (READ-ONLY COPY).

The authoritative reference and input builder live on the scoring server;
editing this copy changes nothing except your own understanding.
"""

import jax, jax.numpy as jnp
import numpy as np

VOCAB = 1000000
REPR_DIM = 32
BATCH = 16384
HIST = 50

def setup_inputs(seed: int = 0) -> dict:
    key = jax.random.key(seed)
    k_idx, k_tab = jax.random.split(key)
    indices = jax.random.randint(k_idx, (BATCH, HIST), 0, VOCAB, dtype=jnp.int64 if jax.config.jax_enable_x64 else jnp.int32)
    table = jax.random.normal(k_tab, (VOCAB, REPR_DIM), dtype=jnp.float32) * 0.02
    return {"indices": indices, "table": table}

def reference(indices, table):
    # Embedding lookup: gather rows of the table by index.
    out = jnp.take(table, indices, axis=0)  # [BATCH, HIST, REPR_DIM]
    return out

if __name__ == "__main__":
    import jax
    _d = setup_inputs()
    print(jax.jit(kernel)(*tuple(_d.values())))

</pallas_src>

<mosaic_0001>
#map = affine_map<(d0, d1) -> (0, 0)>
#map1 = affine_map<(d0, d1) -> (0, 0, 0)>
module attributes {stable_mosaic.version = 14 : i64} {
  func.func @gather_kernel(%arg0: i32, %arg1: i32, %arg2: memref<1000000x32xf32, #tpu.memory_space<hbm>>, %arg3: memref<50x16384xi32, #tpu.memory_space<hbm>>, %arg4: memref<50x32x16384xf32, #tpu.memory_space<hbm>>, %arg5: memref<50x512xi32, #tpu.memory_space<vmem>>, %arg6: memref<512x32xf32, #tpu.memory_space<vmem>>, %arg7: memref<512x32xf32, #tpu.memory_space<vmem>>, %arg8: memref<32x513xf32, #tpu.memory_space<vmem>>, %arg9: memref<32x513xf32, #tpu.memory_space<vmem>>, %arg10: memref<!tpu.dma_semaphore, #tpu.memory_space<semaphore_mem>>, %arg11: memref<!tpu.dma_semaphore, #tpu.memory_space<semaphore_mem>>, %arg12: memref<!tpu.dma_semaphore, #tpu.memory_space<semaphore_mem>>, %arg13: memref<!tpu.dma_semaphore, #tpu.memory_space<semaphore_mem>>, %arg14: memref<!tpu.dma_semaphore, #tpu.memory_space<semaphore_mem>>) attributes {dimension_semantics = [#tpu.dimension_semantics<core_parallel>, #tpu.dimension_semantics<subcore_parallel>], iteration_bounds = array<i64: 2, 16>, scalar_prefetch = 0 : i64, scratch_operands = 10 : i64, tpu.core_type = #tpu.core_type<sc_vector_subcore>, window_params = [{transform_indices = #map}, {transform_indices = #map}, {transform_indices = #map1}]} {
    %mul3A = arith.constant 2 : i32
    %mul3A_0 = arith.muli %arg1, %mul3A : i32
    %add3A = arith.addi %mul3A_0, %arg0 : i32
    %mul3A_1 = arith.constant 512 : i32
    %mul3A_2 = arith.muli %add3A, %mul3A_1 : i32
    %dma_start3A = arith.constant 0 : i32
    %dma_start3A_3 = tpu.memref_slice %arg3[%dma_start3A, %mul3A_2] : memref<50x16384xi32, #tpu.memory_space<hbm>> -> memref<50x512xi32, #tpu.memory_space<hbm>>
    %dma_start3A_4 = arith.constant 0 : i32
    %dma_start3A_5 = tpu.memref_slice %arg3[%dma_start3A_4, %mul3A_2] : memref<50x16384xi32, #tpu.memory_space<hbm>> -> memref<50x512xi32, #tpu.memory_space<hbm>>
    tpu.enqueue_dma source(%dma_start3A_5 : memref<50x512xi32, #tpu.memory_space<hbm>>) target(%arg5 : memref<50x512xi32, #tpu.memory_space<vmem>>) target_semaphore(%arg14 : memref<!tpu.dma_semaphore, #tpu.memory_space<semaphore_mem>>)
    %dma_wait3A = arith.constant 0 : i32
    %dma_wait3A_6 = tpu.memref_slice %arg3[%dma_wait3A, %mul3A_2] : memref<50x16384xi32, #tpu.memory_space<hbm>> -> memref<50x512xi32, #tpu.memory_space<hbm>>
    %dma_wait3A_7 = arith.constant 0 : i32
    %dma_wait3A_8 = tpu.memref_slice %arg3[%dma_wait3A_7, %mul3A_2] : memref<50x16384xi32, #tpu.memory_space<hbm>> -> memref<50x512xi32, #tpu.memory_space<hbm>>
    tpu.wait_dma2 semaphore(%arg14 : memref<!tpu.dma_semaphore, #tpu.memory_space<semaphore_mem>>) src(%dma_wait3A_8 : memref<50x512xi32, #tpu.memory_space<hbm>>) dst(%arg5 : memref<50x512xi32, #tpu.memory_space<vmem>>)
    %dma_start3A_9 = arith.constant 0 : i32
    %dma_start3A_10 = arith.constant 0 : i32
    %dma_start3A_11 = tpu.memref_slice %arg5[%dma_start3A_9, %dma_start3A_10] : memref<50x512xi32, #tpu.memory_space<vmem>> -> memref<1x512xi32, #tpu.memory_space<vmem>>
    %dma_start3A_12 = tpu.memref_squeeze %dma_start3A_11 : memref<1x512xi32, #tpu.memory_space<vmem>> -> memref<512xi32, #tpu.memory_space<vmem>>
    %dma_start3A_13 = arith.constant 0 : i32
    %dma_start3A_14 = arith.constant 0 : i32
    %dma_start3A_15 = tpu.memref_slice %arg2[%dma_start3A_13, %dma_start3A_14] : memref<1000000x32xf32, #tpu.memory_space<hbm>> -> memref<1000000x32xf32, #tpu.memory_space<hbm>>
    tpu.enqueue_indirect_dma source(%dma_start3A_15 : memref<1000000x32xf32, #tpu.memory_space<hbm>>) target(%arg6 : memref<512x32xf32, #tpu.memory_space<vmem>>) offsets(%dma_start3A_12 : memref<512xi32, #tpu.memory_space<vmem>>) semaphore(%arg10 : memref<!tpu.dma_semaphore, #tpu.memory_space<semaphore_mem>>)
    %dma_start3A_16 = arith.constant 1 : i32
    %dma_start3A_17 = arith.constant 0 : i32
    %dma_start3A_18 = tpu.memref_slice %arg5[%dma_start3A_16, %dma_start3A_17] : memref<50x512xi32, #tpu.memory_space<vmem>> -> memref<1x512xi32, #tpu.memory_space<vmem>>
    %dma_start3A_19 = tpu.memref_squeeze %dma_start3A_18 : memref<1x512xi32, #tpu.memory_space<vmem>> -> memref<512xi32, #tpu.memory_space<vmem>>
    %dma_start3A_20 = arith.constant 0 : i32
    %dma_start3A_21 = arith.constant 0 : i32
    %dma_start3A_22 = tpu.memref_slice %arg2[%dma_start3A_20, %dma_start3A_21] : memref<1000000x32xf32, #tpu.memory_space<hbm>> -> memref<1000000x32xf32, #tpu.memory_space<hbm>>
    tpu.enqueue_indirect_dma source(%dma_start3A_22 : memref<1000000x32xf32, #tpu.memory_space<hbm>>) target(%arg7 : memref<512x32xf32, #tpu.memory_space<vmem>>) offsets(%dma_start3A_19 : memref<512xi32, #tpu.memory_space<vmem>>) semaphore(%arg11 : memref<!tpu.dma_semaphore, #tpu.memory_space<semaphore_mem>>)
    %scan3A = arith.constant 0 : i32
    %scan3A_23 = arith.constant 25 : i32
    %scan3A_24 = arith.addi %scan3A, %scan3A_23 : i32
    %scan3A_25 = arith.constant 1 : i32
    scf.for %scan3A_53 = %scan3A to %scan3A_24 step %scan3A_25  : i32 {
      %mul3A_54 = arith.constant 2 : i32
      %mul3A_55 = arith.muli %scan3A_53, %mul3A_54 : i32
      %add3A_56 = arith.constant 0 : i32
      %add3A_57 = arith.addi %add3A_56, %mul3A_55 : i32
      %add3A_58 = arith.constant 0 : i32
      %add3A_59 = arith.addi %add3A_57, %add3A_58 : i32
      %dma_wait3A_60 = arith.constant 0 : i32
      %dma_wait3A_61 = arith.constant 0 : i32
      %dma_wait3A_62 = tpu.memref_slice %arg5[%dma_wait3A_60, %dma_wait3A_61] : memref<50x512xi32, #tpu.memory_space<vmem>> -> memref<1x512xi32, #tpu.memory_space<vmem>>
      %dma_wait3A_63 = tpu.memref_squeeze %dma_wait3A_62 : memref<1x512xi32, #tpu.memory_space<vmem>> -> memref<512xi32, #tpu.memory_space<vmem>>
      %dma_wait3A_64 = arith.constant 0 : i32
      %dma_wait3A_65 = arith.constant 0 : i32
      %dma_wait3A_66 = tpu.memref_slice %arg2[%dma_wait3A_64, %dma_wait3A_65] : memref<1000000x32xf32, #tpu.memory_space<hbm>> -> memref<1000000x32xf32, #tpu.memory_space<hbm>>
      tpu.wait_indirect_dma semaphore(%arg10 : memref<!tpu.dma_semaphore, #tpu.memory_space<semaphore_mem>>) src(%dma_wait3A_66 : memref<1000000x32xf32, #tpu.memory_space<hbm>>) dst(%arg6 : memref<512x32xf32, #tpu.memory_space<vmem>>)
      %ge3A = arith.constant 2 : i32
      %ge3A_67 = arith.cmpi sge, %add3A_59, %ge3A : i32
      %convert_element_type3A = arith.extui %ge3A_67 : i1 to i32
      %cond3A = arith.constant 0 : i32
      %cond3A_68 = arith.cmpi ne, %convert_element_type3A, %cond3A : i32
      scf.if %cond3A_68 {
        %dma_wait3A_137 = arith.constant 0 : i32
        %dma_wait3A_138 = arith.constant 0 : i32
        %dma_wait3A_139 = arith.constant 0 : i32
        %dma_wait3A_140 = tpu.memref_slice %arg8[%dma_wait3A_138, %dma_wait3A_139] : memref<32x513xf32, #tpu.memory_space<vmem>> -> memref<32x512xf32, #tpu.memory_space<vmem>>
        %dma_wait3A_141 = arith.constant 0 : i32
        %dma_wait3A_142 = tpu.memref_slice %arg4[%dma_wait3A_137, %dma_wait3A_141, %mul3A_2] : memref<50x32x16384xf32, #tpu.memory_space<hbm>> -> memref<1x32x512xf32, #tpu.memory_space<hbm>>
        %dma_wait3A_143 = tpu.memref_squeeze %dma_wait3A_142 : memref<1x32x512xf32, #tpu.memory_space<hbm>> -> memref<32x512xf32, #tpu.memory_space<hbm>>
        %dma_wait3A_144 = arith.constant 0 : i32
        %dma_wait3A_145 = tpu.memref_slice %arg4[%dma_wait3A_137, %dma_wait3A_144, %mul3A_2] : memref<50x32x16384xf32, #tpu.memory_space<hbm>> -> memref<1x32x512xf32, #tpu.memory_space<hbm>>
        %dma_wait3A_146 = tpu.memref_squeeze %dma_wait3A_145 : memref<1x32x512xf32, #tpu.memory_space<hbm>> -> memref<32x512xf32, #tpu.memory_space<hbm>>
        %dma_wait3A_147 = arith.constant 0 : i32
        %dma_wait3A_148 = arith.constant 0 : i32
        %dma_wait3A_149 = tpu.memref_slice %arg8[%dma_wait3A_147, %dma_wait3A_148] : memref<32x513xf32, #tpu.memory_space<vmem>> -> memref<32x512xf32, #tpu.memory_space<vmem>>
        tpu.wait_dma2 semaphore(%arg12 : memref<!tpu.dma_semaphore, #tpu.memory_space<semaphore_mem>>) src(%dma_wait3A_149 : memref<32x512xf32, #tpu.memory_space<vmem>>) dst(%dma_wait3A_146 : memref<32x512xf32, #tpu.memory_space<hbm>>)
      } else {
      }
      %iota3A = tpu.iota {dimensions = array<i32: 0>} : vector<16xi32>
      %add3A_69 = arith.constant 16 : i32
      %add3A_70 = vector.broadcast %add3A_69 : i32 to vector<16xi32>
      %add3A_71 = arith.addi %iota3A, %add3A_70 : vector<16xi32>
      %scan3A_72 = arith.constant 0 : i32
      %scan3A_73 = arith.constant 32 : i32
      %scan3A_74 = arith.addi %scan3A_72, %scan3A_73 : i32
      %scan3A_75 = arith.constant 1 : i32
      scf.for %scan3A_137 = %scan3A_72 to %scan3A_74 step %scan3A_75  : i32 {
        %mul3A_138 = arith.constant 16 : i32
        %mul3A_139 = arith.muli %scan3A_137, %mul3A_138 : i32
        %add3A_140 = arith.constant 0 : i32
        %add3A_141 = arith.addi %add3A_140, %mul3A_139 : i32
        %add3A_142 = arith.constant 0 : i32
        %add3A_143 = arith.addi %add3A_141, %add3A_142 : i32
        %broadcast_in_dim3A = vector.broadcast %add3A_143 : i32 to vector<16xi32>
        %get3A = arith.index_cast %add3A_143 : i32 to index
        %get3A_144 = arith.constant 0 : index
        %get3A_145 = tpu.vector_load %arg6[%get3A, %get3A_144] {strides = array<i32>} : memref<512x32xf32, #tpu.memory_space<vmem>>, vector<16xf32>,
        tpu.vector_store_idx %arg8[%iota3A, %broadcast_in_dim3A], %get3A_145 : memref<32x513xf32, #tpu.memory_space<vmem>>[vector<16xi32>, vector<16xi32>], vector<16xf32>,
        %get3A_146 = arith.index_cast %add3A_143 : i32 to index
        %get3A_147 = arith.constant 16 : index
        %get3A_148 = tpu.vector_load %arg6[%get3A_146, %get3A_147] {strides = array<i32>} : memref<512x32xf32, #tpu.memory_space<vmem>>, vector<16xf32>,
        tpu.vector_store_idx %arg8[%add3A_71, %broadcast_in_dim3A], %get3A_148 : memref<32x513xf32, #tpu.memory_space<vmem>>[vector<16xi32>, vector<16xi32>], vector<16xf32>,
        %add3A_149 = arith.constant 1 : i32
        %add3A_150 = arith.addi %add3A_141, %add3A_149 : i32
        %broadcast_in_dim3A_151 = vector.broadcast %add3A_150 : i32 to vector<16xi32>
        %get3A_152 = arith.index_cast %add3A_150 : i32 to index
        %get3A_153 = arith.constant 0 : index
        %get3A_154 = tpu.vector_load %arg6[%get3A_152, %get3A_153] {strides = array<i32>} : memref<512x32xf32, #tpu.memory_space<vmem>>, vector<16xf32>,
        tpu.vector_store_idx %arg8[%iota3A, %broadcast_in_dim3A_151], %get3A_154 : memref<32x513xf32, #tpu.memory_space<vmem>>[vector<16xi32>, vector<16xi32>], vector<16xf32>,
        %get3A_155 = arith.index_cast %add3A_150 : i32 to index
        %get3A_156 = arith.constant 16 : index
        %get3A_157 = tpu.vector_load %arg6[%get3A_155, %get3A_156] {strides = array<i32>} : memref<512x32xf32, #tpu.memory_space<vmem>>, vector<16xf32>,
        tpu.vector_store_idx %arg8[%add3A_71, %broadcast_in_dim3A_151], %get3A_157 : memref<32x513xf32, #tpu.memory_space<vmem>>[vector<16xi32>, vector<16xi32>], vector<16xf32>,
        %add3A_158 = arith.constant 2 : i32
        %add3A_159 = arith.addi %add3A_141, %add3A_158 : i32
        %broadcast_in_dim3A_160 = vector.broadcast %add3A_159 : i32 to vector<16xi32>
        %get3A_161 = arith.index_cast %add3A_159 : i32 to index
        %get3A_162 = arith.constant 0 : index
        %get3A_163 = tpu.vector_load %arg6[%get3A_161, %get3A_162] {strides = array<i32>} : memref<512x32xf32, #tpu.memory_space<vmem>>, vector<16xf32>,
        tpu.vector_store_idx %arg8[%iota3A, %broadcast_in_dim3A_160], %get3A_163 : memref<32x513xf32, #tpu.memory_space<vmem>>[vector<16xi32>, vector<16xi32>], vector<16xf32>,
        %get3A_164 = arith.index_cast %add3A_159 : i32 to index
        %get3A_165 = arith.constant 16 : index
        %get3A_166 = tpu.vector_load %arg6[%get3A_164, %get3A_165] {strides = array<i32>} : memref<512x32xf32, #tpu.memory_space<vmem>>, vector<16xf32>,
        tpu.vector_store_idx %arg8[%add3A_71, %broadcast_in_dim3A_160], %get3A_166 : memref<32x513xf32, #tpu.memory_space<vmem>>[vector<16xi32>, vector<16xi32>], vector<16xf32>,
        %add3A_167 = arith.constant 3 : i32
        %add3A_168 = arith.addi %add3A_141, %add3A_167 : i32
        %broadcast_in_dim3A_169 = vector.broadcast %add3A_168 : i32 to vector<16xi32>
        %get3A_170 = arith.index_cast %add3A_168 : i32 to index
        %get3A_171 = arith.constant 0 : index
        %get3A_172 = tpu.vector_load %arg6[%get3A_170, %get3A_171] {strides = array<i32>} : memref<512x32xf32, #tpu.memory_space<vmem>>, vector<16xf32>,
        tpu.vector_store_idx %arg8[%iota3A, %broadcast_in_dim3A_169], %get3A_172 : memref<32x513xf32, #tpu.memory_space<vmem>>[vector<16xi32>, vector<16xi32>], vector<16xf32>,
        %get3A_173 = arith.index_cast %add3A_168 : i32 to index
        %get3A_174 = arith.constant 16 : index
        %get3A_175 = tpu.vector_load %arg6[%get3A_173, %get3A_174] {strides = array<i32>} : memref<512x32xf32, #tpu.memory_space<vmem>>, vector<16xf32>,
        tpu.vector_store_idx %arg8[%add3A_71, %broadcast_in_dim3A_169], %get3A_175 : memref<32x513xf32, #tpu.memory_space<vmem>>[vector<16xi32>, vector<16xi32>], vector<16xf32>,
        %add3A_176 = arith.constant 4 : i32
        %add3A_177 = arith.addi %add3A_141, %add3A_176 : i32
        %broadcast_in_dim3A_178 = vector.broadcast %add3A_177 : i32 to vector<16xi32>
        %get3A_179 = arith.index_cast %add3A_177 : i32 to index
        %get3A_180 = arith.constant 0 : index
        %get3A_181 = tpu.vector_load %arg6[%get3A_179, %get3A_180] {strides = array<i32>} : memref<512x32xf32, #tpu.memory_space<vmem>>, vector<16xf32>,
        tpu.vector_store_idx %arg8[%iota3A, %broadcast_in_dim3A_178], %get3A_181 : memref<32x513xf32, #tpu.memory_space<vmem>>[vector<16xi32>, vector<16xi32>], vector<16xf32>,
        %get3A_182 = arith.index_cast %add3A_177 : i32 to index
        %get3A_183 = arith.constant 16 : index
        %get3A_184 = tpu.vector_load %arg6[%get3A_182, %get3A_183] {strides = array<i32>} : memref<512x32xf32, #tpu.memory_space<vmem>>, vector<16xf32>,
        tpu.vector_store_idx %arg8[%add3A_71, %broadcast_in_dim3A_178], %get3A_184 : memref<32x513xf32, #tpu.memory_space<vmem>>[vector<16xi32>, vector<16xi32>], vector<16xf32>,
        %add3A_185 = arith.constant 5 : i32
        %add3A_186 = arith.addi %add3A_141, %add3A_185 : i32
        %broadcast_in_dim3A_187 = vector.broadcast %add3A_186 : i32 to vector<16xi32>
        %get3A_188 = arith.index_cast %add3A_186 : i32 to index
        %get3A_189 = arith.constant 0 : index
        %get3A_190 = tpu.vector_load %arg6[%get3A_188, %get3A_189] {strides = array<i32>} : memref<512x32xf32, #tpu.memory_space<vmem>>, vector<16xf32>,
        tpu.vector_store_idx %arg8[%iota3A, %broadcast_in_dim3A_187], %get3A_190 : memref<32x513xf32, #tpu.memory_space<vmem>>[vector<16xi32>, vector<16xi32>], vector<16xf32>,
        %get3A_191 = arith.index_cast %add3A_186 : i32 to index
        %get3A_192 = arith.constant 16 : index
        %get3A_193 = tpu.vector_load %arg6[%get3A_191, %get3A_192] {strides = array<i32>} : memref<512x32xf32, #tpu.memory_space<vmem>>, vector<16xf32>,
        tpu.vector_store_idx %arg8[%add3A_71, %broadcast_in_dim3A_187], %get3A_193 : memref<32x513xf32, #tpu.memory_space<vmem>>[vector<16xi32>, vector<16xi32>], vector<16xf32>,
        %add3A_194 = arith.constant 6 : i32
        %add3A_195 = arith.addi %add3A_141, %add3A_194 : i32
        %broadcast_in_dim3A_196 = vector.broadcast %add3A_195 : i32 to vector<16xi32>
        %get3A_197 = arith.index_cast %add3A_195 : i32 to index
        %get3A_198 = arith.constant 0 : index
        %get3A_199 = tpu.vector_load %arg6[%get3A_197, %get3A_198] {strides = array<i32>} : memref<512x32xf32, #tpu.memory_space<vmem>>, vector<16xf32>,
        tpu.vector_store_idx %arg8[%iota3A, %broadcast_in_dim3A_196], %get3A_199 : memref<32x513xf32, #tpu.memory_space<vmem>>[vector<16xi32>, vector<16xi32>], vector<16xf32>,
        %get3A_200 = arith.index_cast %add3A_195 : i32 to index
        %get3A_201 = arith.constant 16 : index
        %get3A_202 = tpu.vector_load %arg6[%get3A_200, %get3A_201] {strides = array<i32>} : memref<512x32xf32, #tpu.memory_space<vmem>>, vector<16xf32>,
        tpu.vector_store_idx %arg8[%add3A_71, %broadcast_in_dim3A_196], %get3A_202 : memref<32x513xf32, #tpu.memory_space<vmem>>[vector<16xi32>, vector<16xi32>], vector<16xf32>,
        %add3A_203 = arith.constant 7 : i32
        %add3A_204 = arith.addi %add3A_141, %add3A_203 : i32
        %broadcast_in_dim3A_205 = vector.broadcast %add3A_204 : i32 to vector<16xi32>
        %get3A_206 = arith.index_cast %add3A_204 : i32 to index
        %get3A_207 = arith.constant 0 : index
        %get3A_208 = tpu.vector_load %arg6[%get3A_206, %get3A_207] {strides = array<i32>} : memref<512x32xf32, #tpu.memory_space<vmem>>, vector<16xf32>,
        tpu.vector_store_idx %arg8[%iota3A, %broadcast_in_dim3A_205], %get3A_208 : memref<32x513xf32, #tpu.memory_space<vmem>>[vector<16xi32>, vector<16xi32>], vector<16xf32>,
        %get3A_209 = arith.index_cast %add3A_204 : i32 to index
        %get3A_210 = arith.constant 16 : index
        %get3A_211 = tpu.vector_load %arg6[%get3A_209, %get3A_210] {strides = array<i32>} : memref<512x32xf32, #tpu.memory_space<vmem>>, vector<16xf32>,
        tpu.vector_store_idx %arg8[%add3A_71, %broadcast_in_dim3A_205], %get3A_211 : memref<32x513xf32, #tpu.memory_space<vmem>>[vector<16xi32>, vector<16xi32>], vector<16xf32>,
        %add3A_212 = arith.constant 8 : i32
        %add3A_213 = arith.addi %add3A_141, %add3A_212 : i32
        %broadcast_in_dim3A_214 = vector.broadcast %add3A_213 : i32 to vector<16xi32>
        %get3A_215 = arith.index_cast %add3A_213 : i32 to index
        %get3A_216 = arith.constant 0 : index
        %get3A_217 = tpu.vector_load %arg6[%get3A_215, %get3A_216] {strides = array<i32>} : memref<512x32xf32, #tpu.memory_space<vmem>>, vector<16xf32>,
        tpu.vector_store_idx %arg8[%iota3A, %broadcast_in_dim3A_214], %get3A_217 : memref<32x513xf32, #tpu.memory_space<vmem>>[vector<16xi32>, vector<16xi32>], vector<16xf32>,
        %get3A_218 = arith.index_cast %add3A_213 : i32 to index
        %get3A_219 = arith.constant 16 : index
        %get3A_220 = tpu.vector_load %arg6[%get3A_218, %get3A_219] {strides = array<i32>} : memref<512x32xf32, #tpu.memory_space<vmem>>, vector<16xf32>,
        tpu.vector_store_idx %arg8[%add3A_71, %broadcast_in_dim3A_214], %get3A_220 : memref<32x513xf32, #tpu.memory_space<vmem>>[vector<16xi32>, vector<16xi32>], vector<16xf32>,
        %add3A_221 = arith.constant 9 : i32
        %add3A_222 = arith.addi %add3A_141, %add3A_221 : i32
        %broadcast_in_dim3A_223 = vector.broadcast %add3A_222 : i32 to vector<16xi32>
        %get3A_224 = arith.index_cast %add3A_222 : i32 to index
        %get3A_225 = arith.constant 0 : index
        %get3A_226 = tpu.vector_load %arg6[%get3A_224, %get3A_225] {strides = array<i32>} : memref<512x32xf32, #tpu.memory_space<vmem>>, vector<16xf32>,
        tpu.vector_store_idx %arg8[%iota3A, %broadcast_in_dim3A_223], %get3A_226 : memref<32x513xf32, #tpu.memory_space<vmem>>[vector<16xi32>, vector<16xi32>], vector<16xf32>,
        %get3A_227 = arith.index_cast %add3A_222 : i32 to index
        %get3A_228 = arith.constant 16 : index
        %get3A_229 = tpu.vector_load %arg6[%get3A_227, %get3A_228] {strides = array<i32>} : memref<512x32xf32, #tpu.memory_space<vmem>>, vector<16xf32>,
        tpu.vector_store_idx %arg8[%add3A_71, %broadcast_in_dim3A_223], %get3A_229 : memref<32x513xf32, #tpu.memory_space<vmem>>[vector<16xi32>, vector<16xi32>], vector<16xf32>,
        %add3A_230 = arith.constant 10 : i32
        %add3A_231 = arith.addi %add3A_141, %add3A_230 : i32
        %broadcast_in_dim3A_232 = vector.broadcast %add3A_231 : i32 to vector<16xi32>
        %get3A_233 = arith.index_cast %add3A_231 : i32 to index
        %get3A_234 = arith.constant 0 : index
        %get3A_235 = tpu.vector_load %arg6[%get3A_233, %get3A_234] {strides = array<i32>} : memref<512x32xf32, #tpu.memory_space<vmem>>, vector<16xf32>,
        tpu.vector_store_idx %arg8[%iota3A, %broadcast_in_dim3A_232], %get3A_235 : memref<32x513xf32, #tpu.memory_space<vmem>>[vector<16xi32>, vector<16xi32>], vector<16xf32>,
        %get3A_236 = arith.index_cast %add3A_231 : i32 to index
        %get3A_237 = arith.constant 16 : index
        %get3A_238 = tpu.vector_load %arg6[%get3A_236, %get3A_237] {strides = array<i32>} : memref<512x32xf32, #tpu.memory_space<vmem>>, vector<16xf32>,
        tpu.vector_store_idx %arg8[%add3A_71, %broadcast_in_dim3A_232], %get3A_238 : memref<32x513xf32, #tpu.memory_space<vmem>>[vector<16xi32>, vector<16xi32>], vector<16xf32>,
        %add3A_239 = arith.constant 11 : i32
        %add3A_240 = arith.addi %add3A_141, %add3A_239 : i32
        %broadcast_in_dim3A_241 = vector.broadcast %add3A_240 : i32 to vector<16xi32>
        %get3A_242 = arith.index_cast %add3A_240 : i32 to index
        %get3A_243 = arith.constant 0 : index
        %get3A_244 = tpu.vector_load %arg6[%get3A_242, %get3A_243] {strides = array<i32>} : memref<512x32xf32, #tpu.memory_space<vmem>>, vector<16xf32>,
        tpu.vector_store_idx %arg8[%iota3A, %broadcast_in_dim3A_241], %get3A_244 : memref<32x513xf32, #tpu.memory_space<vmem>>[vector<16xi32>, vector<16xi32>], vector<16xf32>,
        %get3A_245 = arith.index_cast %add3A_240 : i32 to index
        %get3A_246 = arith.constant 16 : index
        %get3A_247 = tpu.vector_load %arg6[%get3A_245, %get3A_246] {strides = array<i32>} : memref<512x32xf32, #tpu.memory_space<vmem>>, vector<16xf32>,
        tpu.vector_store_idx %arg8[%add3A_71, %broadcast_in_dim3A_241], %get3A_247 : memref<32x513xf32, #tpu.memory_space<vmem>>[vector<16xi32>, vector<16xi32>], vector<16xf32>,
        %add3A_248 = arith.constant 12 : i32
        %add3A_249 = arith.addi %add3A_141, %add3A_248 : i32
        %broadcast_in_dim3A_250 = vector.broadcast %add3A_249 : i32 to vector<16xi32>
        %get3A_251 = arith.index_cast %add3A_249 : i32 to index
        %get3A_252 = arith.constant 0 : index
        %get3A_253 = tpu.vector_load %arg6[%get3A_251, %get3A_252] {strides = array<i32>} : memref<512x32xf32, #tpu.memory_space<vmem>>, vector<16xf32>,
        tpu.vector_store_idx %arg8[%iota3A, %broadcast_in_dim3A_250], %get3A_253 : memref<32x513xf32, #tpu.memory_space<vmem>>[vector<16xi32>, vector<16xi32>], vector<16xf32>,
        %get3A_254 = arith.index_cast %add3A_249 : i32 to index
        %get3A_255 = arith.constant 16 : index
        %get3A_256 = tpu.vector_load %arg6[%get3A_254, %get3A_255] {strides = array<i32>} : memref<512x32xf32, #tpu.memory_space<vmem>>, vector<16xf32>,
        tpu.vector_store_idx %arg8[%add3A_71, %broadcast_in_dim3A_250], %get3A_256 : memref<32x513xf32, #tpu.memory_space<vmem>>[vector<16xi32>, vector<16xi32>], vector<16xf32>,
        %add3A_257 = arith.constant 13 : i32
        %add3A_258 = arith.addi %add3A_141, %add3A_257 : i32
        %broadcast_in_dim3A_259 = vector.broadcast %add3A_258 : i32 to vector<16xi32>
        %get3A_260 = arith.index_cast %add3A_258 : i32 to index
        %get3A_261 = arith.constant 0 : index
        %get3A_262 = tpu.vector_load %arg6[%get3A_260, %get3A_261] {strides = array<i32>} : memref<512x32xf32, #tpu.memory_space<vmem>>, vector<16xf32>,
        tpu.vector_store_idx %arg8[%iota3A, %broadcast_in_dim3A_259], %get3A_262 : memref<32x513xf32, #tpu.memory_space<vmem>>[vector<16xi32>, vector<16xi32>], vector<16xf32>,
        %get3A_263 = arith.index_cast %add3A_258 : i32 to index
        %get3A_264 = arith.constant 16 : index
        %get3A_265 = tpu.vector_load %arg6[%get3A_263, %get3A_264] {strides = array<i32>} : memref<512x32xf32, #tpu.memory_space<vmem>>, vector<16xf32>,
        tpu.vector_store_idx %arg8[%add3A_71, %broadcast_in_dim3A_259], %get3A_265 : memref<32x513xf32, #tpu.memory_space<vmem>>[vector<16xi32>, vector<16xi32>], vector<16xf32>,
        %add3A_266 = arith.constant 14 : i32
        %add3A_267 = arith.addi %add3A_141, %add3A_266 : i32
        %broadcast_in_dim3A_268 = vector.broadcast %add3A_267 : i32 to vector<16xi32>
        %get3A_269 = arith.index_cast %add3A_267 : i32 to index
        %get3A_270 = arith.constant 0 : index
        %get3A_271 = tpu.vector_load %arg6[%get3A_269, %get3A_270] {strides = array<i32>} : memref<512x32xf32, #tpu.memory_space<vmem>>, vector<16xf32>,
        tpu.vector_store_idx %arg8[%iota3A, %broadcast_in_dim3A_268], %get3A_271 : memref<32x513xf32, #tpu.memory_space<vmem>>[vector<16xi32>, vector<16xi32>], vector<16xf32>,
        %get3A_272 = arith.index_cast %add3A_267 : i32 to index
        %get3A_273 = arith.constant 16 : index
        %get3A_274 = tpu.vector_load %arg6[%get3A_272, %get3A_273] {strides = array<i32>} : memref<512x32xf32, #tpu.memory_space<vmem>>, vector<16xf32>,
        tpu.vector_store_idx %arg8[%add3A_71, %broadcast_in_dim3A_268], %get3A_274 : memref<32x513xf32, #tpu.memory_space<vmem>>[vector<16xi32>, vector<16xi32>], vector<16xf32>,
        %add3A_275 = arith.constant 15 : i32
        %add3A_276 = arith.addi %add3A_141, %add3A_275 : i32
        %broadcast_in_dim3A_277 = vector.broadcast %add3A_276 : i32 to vector<16xi32>
        %get3A_278 = arith.index_cast %add3A_276 : i32 to index
        %get3A_279 = arith.constant 0 : index
        %get3A_280 = tpu.vector_load %arg6[%get3A_278, %get3A_279] {strides = array<i32>} : memref<512x32xf32, #tpu.memory_space<vmem>>, vector<16xf32>,
        tpu.vector_store_idx %arg8[%iota3A, %broadcast_in_dim3A_277], %get3A_280 : memref<32x513xf32, #tpu.memory_space<vmem>>[vector<16xi32>, vector<16xi32>], vector<16xf32>,
        %get3A_281 = arith.index_cast %add3A_276 : i32 to index
        %get3A_282 = arith.constant 16 : index
        %get3A_283 = tpu.vector_load %arg6[%get3A_281, %get3A_282] {strides = array<i32>} : memref<512x32xf32, #tpu.memory_space<vmem>>, vector<16xf32>,
        tpu.vector_store_idx %arg8[%add3A_71, %broadcast_in_dim3A_277], %get3A_283 : memref<32x513xf32, #tpu.memory_space<vmem>>[vector<16xi32>, vector<16xi32>], vector<16xf32>,
      }
      %scan3A_76 = arith.constant 32 : i32
      %dma_start3A_77 = arith.constant 0 : i32
      %dma_start3A_78 = arith.constant 0 : i32
      %dma_start3A_79 = tpu.memref_slice %arg8[%dma_start3A_77, %dma_start3A_78] : memref<32x513xf32, #tpu.memory_space<vmem>> -> memref<32x512xf32, #tpu.memory_space<vmem>>
      %dma_start3A_80 = arith.constant 0 : i32
      %dma_start3A_81 = tpu.memref_slice %arg4[%add3A_59, %dma_start3A_80, %mul3A_2] : memref<50x32x16384xf32, #tpu.memory_space<hbm>> -> memref<1x32x512xf32, #tpu.memory_space<hbm>>
      %dma_start3A_82 = tpu.memref_squeeze %dma_start3A_81 : memref<1x32x512xf32, #tpu.memory_space<hbm>> -> memref<32x512xf32, #tpu.memory_space<hbm>>
      %dma_start3A_83 = arith.constant 0 : i32
      %dma_start3A_84 = tpu.memref_slice %arg4[%add3A_59, %dma_start3A_83, %mul3A_2] : memref<50x32x16384xf32, #tpu.memory_space<hbm>> -> memref<1x32x512xf32, #tpu.memory_space<hbm>>
      %dma_start3A_85 = tpu.memref_squeeze %dma_start3A_84 : memref<1x32x512xf32, #tpu.memory_space<hbm>> -> memref<32x512xf32, #tpu.memory_space<hbm>>
      %dma_start3A_86 = arith.constant 0 : i32
      %dma_start3A_87 = arith.constant 0 : i32
      %dma_start3A_88 = tpu.memref_slice %arg8[%dma_start3A_86, %dma_start3A_87] : memref<32x513xf32, #tpu.memory_space<vmem>> -> memref<32x512xf32, #tpu.memory_space<vmem>>
      tpu.enqueue_dma source(%dma_start3A_88 : memref<32x512xf32, #tpu.memory_space<vmem>>) target(%dma_start3A_85 : memref<32x512xf32, #tpu.memory_space<hbm>>) target_semaphore(%arg12 : memref<!tpu.dma_semaphore, #tpu.memory_space<semaphore_mem>>)
      %add3A_89 = arith.constant 2 : i32
      %add3A_90 = arith.addi %add3A_59, %add3A_89 : i32
      %lt3A = arith.constant 50 : i32
      %lt3A_91 = arith.cmpi slt, %add3A_90, %lt3A : i32
      %convert_element_type3A_92 = arith.extui %lt3A_91 : i1 to i32
      %cond3A_93 = arith.constant 0 : i32
      %cond3A_94 = arith.cmpi ne, %convert_element_type3A_92, %cond3A_93 : i32
      scf.if %cond3A_94 {
        %add3A_137 = arith.constant 2 : i32
        %add3A_138 = arith.addi %add3A_59, %add3A_137 : i32
        %dma_start3A_139 = arith.constant 0 : i32
        %dma_start3A_140 = tpu.memref_slice %arg5[%add3A_138, %dma_start3A_139] : memref<50x512xi32, #tpu.memory_space<vmem>> -> memref<1x512xi32, #tpu.memory_space<vmem>>
        %dma_start3A_141 = tpu.memref_squeeze %dma_start3A_140 : memref<1x512xi32, #tpu.memory_space<vmem>> -> memref<512xi32, #tpu.memory_space<vmem>>
        %dma_start3A_142 = arith.constant 0 : i32
        %dma_start3A_143 = arith.constant 0 : i32
        %dma_start3A_144 = tpu.memref_slice %arg2[%dma_start3A_142, %dma_start3A_143] : memref<1000000x32xf32, #tpu.memory_space<hbm>> -> memref<1000000x32xf32, #tpu.memory_space<hbm>>
        tpu.enqueue_indirect_dma source(%dma_start3A_144 : memref<1000000x32xf32, #tpu.memory_space<hbm>>) target(%arg6 : memref<512x32xf32, #tpu.memory_space<vmem>>) offsets(%dma_start3A_141 : memref<512xi32, #tpu.memory_space<vmem>>) semaphore(%arg10 : memref<!tpu.dma_semaphore, #tpu.memory_space<semaphore_mem>>)
      } else {
      }
      %add3A_95 = arith.constant 1 : i32
      %add3A_96 = arith.addi %add3A_57, %add3A_95 : i32
      %dma_wait3A_97 = arith.constant 0 : i32
      %dma_wait3A_98 = arith.constant 0 : i32
      %dma_wait3A_99 = tpu.memref_slice %arg5[%dma_wait3A_97, %dma_wait3A_98] : memref<50x512xi32, #tpu.memory_space<vmem>> -> memref<1x512xi32, #tpu.memory_space<vmem>>
      %dma_wait3A_100 = tpu.memref_squeeze %dma_wait3A_99 : memref<1x512xi32, #tpu.memory_space<vmem>> -> memref<512xi32, #tpu.memory_space<vmem>>
      %dma_wait3A_101 = arith.constant 0 : i32
      %dma_wait3A_102 = arith.constant 0 : i32
      %dma_wait3A_103 = tpu.memref_slice %arg2[%dma_wait3A_101, %dma_wait3A_102] : memref<1000000x32xf32, #tpu.memory_space<hbm>> -> memref<1000000x32xf32, #tpu.memory_space<hbm>>
      tpu.wait_indirect_dma semaphore(%arg11 : memref<!tpu.dma_semaphore, #tpu.memory_space<semaphore_mem>>) src(%dma_wait3A_103 : memref<1000000x32xf32, #tpu.memory_space<hbm>>) dst(%arg7 : memref<512x32xf32, #tpu.memory_space<vmem>>)
      %ge3A_104 = arith.constant 2 : i32
      %ge3A_105 = arith.cmpi sge, %add3A_96, %ge3A_104 : i32
      %convert_element_type3A_106 = arith.extui %ge3A_105 : i1 to i32
      %cond3A_107 = arith.constant 0 : i32
      %cond3A_108 = arith.cmpi ne, %convert_element_type3A_106, %cond3A_107 : i32
      scf.if %cond3A_108 {
        %dma_wait3A_137 = arith.constant 0 : i32
        %dma_wait3A_138 = arith.constant 0 : i32
        %dma_wait3A_139 = arith.constant 0 : i32
        %dma_wait3A_140 = tpu.memref_slice %arg9[%dma_wait3A_138, %dma_wait3A_139] : memref<32x513xf32, #tpu.memory_space<vmem>> -> memref<32x512xf32, #tpu.memory_space<vmem>>
        %dma_wait3A_141 = arith.constant 0 : i32
        %dma_wait3A_142 = tpu.memref_slice %arg4[%dma_wait3A_137, %dma_wait3A_141, %mul3A_2] : memref<50x32x16384xf32, #tpu.memory_space<hbm>> -> memref<1x32x512xf32, #tpu.memory_space<hbm>>
        %dma_wait3A_143 = tpu.memref_squeeze %dma_wait3A_142 : memref<1x32x512xf32, #tpu.memory_space<hbm>> -> memref<32x512xf32, #tpu.memory_space<hbm>>
        %dma_wait3A_144 = arith.constant 0 : i32
        %dma_wait3A_145 = tpu.memref_slice %arg4[%dma_wait3A_137, %dma_wait3A_144, %mul3A_2] : memref<50x32x16384xf32, #tpu.memory_space<hbm>> -> memref<1x32x512xf32, #tpu.memory_space<hbm>>
        %dma_wait3A_146 = tpu.memref_squeeze %dma_wait3A_145 : memref<1x32x512xf32, #tpu.memory_space<hbm>> -> memref<32x512xf32, #tpu.memory_space<hbm>>
        %dma_wait3A_147 = arith.constant 0 : i32
        %dma_wait3A_148 = arith.constant 0 : i32
        %dma_wait3A_149 = tpu.memref_slice %arg9[%dma_wait3A_147, %dma_wait3A_148] : memref<32x513xf32, #tpu.memory_space<vmem>> -> memref<32x512xf32, #tpu.memory_space<vmem>>
        tpu.wait_dma2 semaphore(%arg13 : memref<!tpu.dma_semaphore, #tpu.memory_space<semaphore_mem>>) src(%dma_wait3A_149 : memref<32x512xf32, #tpu.memory_space<vmem>>) dst(%dma_wait3A_146 : memref<32x512xf32, #tpu.memory_space<hbm>>)
      } else {
      }
      %iota3A_109 = tpu.iota {dimensions = array<i32: 0>} : vector<16xi32>
      %add3A_110 = arith.constant 16 : i32
      %add3A_111 = vector.broadcast %add3A_110 : i32 to vector<16xi32>
      %add3A_112 = arith.addi %iota3A_109, %add3A_111 : vector<16xi32>
      %scan3A_113 = arith.constant 0 : i32
      %scan3A_114 = arith.constant 32 : i32
      %scan3A_115 = arith.addi %scan3A_113, %scan3A_114 : i32
      %scan3A_116 = arith.constant 1 : i32
      scf.for %scan3A_137 = %scan3A_113 to %scan3A_115 step %scan3A_116  : i32 {
        %mul3A_138 = arith.constant 16 : i32
        %mul3A_139 = arith.muli %scan3A_137, %mul3A_138 : i32
        %add3A_140 = arith.constant 0 : i32
        %add3A_141 = arith.addi %add3A_140, %mul3A_139 : i32
        %add3A_142 = arith.constant 0 : i32
        %add3A_143 = arith.addi %add3A_141, %add3A_142 : i32
        %broadcast_in_dim3A = vector.broadcast %add3A_143 : i32 to vector<16xi32>
        %get3A = arith.index_cast %add3A_143 : i32 to index
        %get3A_144 = arith.constant 0 : index
        %get3A_145 = tpu.vector_load %arg7[%get3A, %get3A_144] {strides = array<i32>} : memref<512x32xf32, #tpu.memory_space<vmem>>, vector<16xf32>,
        tpu.vector_store_idx %arg9[%iota3A_109, %broadcast_in_dim3A], %get3A_145 : memref<32x513xf32, #tpu.memory_space<vmem>>[vector<16xi32>, vector<16xi32>], vector<16xf32>,
        %get3A_146 = arith.index_cast %add3A_143 : i32 to index
        %get3A_147 = arith.constant 16 : index
        %get3A_148 = tpu.vector_load %arg7[%get3A_146, %get3A_147] {strides = array<i32>} : memref<512x32xf32, #tpu.memory_space<vmem>>, vector<16xf32>,
        tpu.vector_store_idx %arg9[%add3A_112, %broadcast_in_dim3A], %get3A_148 : memref<32x513xf32, #tpu.memory_space<vmem>>[vector<16xi32>, vector<16xi32>], vector<16xf32>,
        %add3A_149 = arith.constant 1 : i32
        %add3A_150 = arith.addi %add3A_141, %add3A_149 : i32
        %broadcast_in_dim3A_151 = vector.broadcast %add3A_150 : i32 to vector<16xi32>
        %get3A_152 = arith.index_cast %add3A_150 : i32 to index
        %get3A_153 = arith.constant 0 : index
        %get3A_154 = tpu.vector_load %arg7[%get3A_152, %get3A_153] {strides = array<i32>} : memref<512x32xf32, #tpu.memory_space<vmem>>, vector<16xf32>,
        tpu.vector_store_idx %arg9[%iota3A_109, %broadcast_in_dim3A_151], %get3A_154 : memref<32x513xf32, #tpu.memory_space<vmem>>[vector<16xi32>, vector<16xi32>], vector<16xf32>,
        %get3A_155 = arith.index_cast %add3A_150 : i32 to index
        %get3A_156 = arith.constant 16 : index
        %get3A_157 = tpu.vector_load %arg7[%get3A_155, %get3A_156] {strides = array<i32>} : memref<512x32xf32, #tpu.memory_space<vmem>>, vector<16xf32>,
        tpu.vector_store_idx %arg9[%add3A_112, %broadcast_in_dim3A_151], %get3A_157 : memref<32x513xf32, #tpu.memory_space<vmem>>[vector<16xi32>, vector<16xi32>], vector<16xf32>,
        %add3A_158 = arith.constant 2 : i32
        %add3A_159 = arith.addi %add3A_141, %add3A_158 : i32
        %broadcast_in_dim3A_160 = vector.broadcast %add3A_159 : i32 to vector<16xi32>
        %get3A_161 = arith.index_cast %add3A_159 : i32 to index
        %get3A_162 = arith.constant 0 : index
        %get3A_163 = tpu.vector_load %arg7[%get3A_161, %get3A_162] {strides = array<i32>} : memref<512x32xf32, #tpu.memory_space<vmem>>, vector<16xf32>,
        tpu.vector_store_idx %arg9[%iota3A_109, %broadcast_in_dim3A_160], %get3A_163 : memref<32x513xf32, #tpu.memory_space<vmem>>[vector<16xi32>, vector<16xi32>], vector<16xf32>,
        %get3A_164 = arith.index_cast %add3A_159 : i32 to index
        %get3A_165 = arith.constant 16 : index
        %get3A_166 = tpu.vector_load %arg7[%get3A_164, %get3A_165] {strides = array<i32>} : memref<512x32xf32, #tpu.memory_space<vmem>>, vector<16xf32>,
        tpu.vector_store_idx %arg9[%add3A_112, %broadcast_in_dim3A_160], %get3A_166 : memref<32x513xf32, #tpu.memory_space<vmem>>[vector<16xi32>, vector<16xi32>], vector<16xf32>,
        %add3A_167 = arith.constant 3 : i32
        %add3A_168 = arith.addi %add3A_141, %add3A_167 : i32
        %broadcast_in_dim3A_169 = vector.broadcast %add3A_168 : i32 to vector<16xi32>
        %get3A_170 = arith.index_cast %add3A_168 : i32 to index
        %get3A_171 = arith.constant 0 : index
        %get3A_172 = tpu.vector_load %arg7[%get3A_170, %get3A_171] {strides = array<i32>} : memref<512x32xf32, #tpu.memory_space<vmem>>, vector<16xf32>,
        tpu.vector_store_idx %arg9[%iota3A_109, %broadcast_in_dim3A_169], %get3A_172 : memref<32x513xf32, #tpu.memory_space<vmem>>[vector<16xi32>, vector<16xi32>], vector<16xf32>,
        %get3A_173 = arith.index_cast %add3A_168 : i32 to index
        %get3A_174 = arith.constant 16 : index
        %get3A_175 = tpu.vector_load %arg7[%get3A_173, %get3A_174] {strides = array<i32>} : memref<512x32xf32, #tpu.memory_space<vmem>>, vector<16xf32>,
        tpu.vector_store_idx %arg9[%add3A_112, %broadcast_in_dim3A_169], %get3A_175 : memref<32x513xf32, #tpu.memory_space<vmem>>[vector<16xi32>, vector<16xi32>], vector<16xf32>,
        %add3A_176 = arith.constant 4 : i32
        %add3A_177 = arith.addi %add3A_141, %add3A_176 : i32
        %broadcast_in_dim3A_178 = vector.broadcast %add3A_177 : i32 to vector<16xi32>
        %get3A_179 = arith.index_cast %add3A_177 : i32 to index
        %get3A_180 = arith.constant 0 : index
        %get3A_181 = tpu.vector_load %arg7[%get3A_179, %get3A_180] {strides = array<i32>} : memref<512x32xf32, #tpu.memory_space<vmem>>, vector<16xf32>,
        tpu.vector_store_idx %arg9[%iota3A_109, %broadcast_in_dim3A_178], %get3A_181 : memref<32x513xf32, #tpu.memory_space<vmem>>[vector<16xi32>, vector<16xi32>], vector<16xf32>,
        %get3A_182 = arith.index_cast %add3A_177 : i32 to index
        %get3A_183 = arith.constant 16 : index
        %get3A_184 = tpu.vector_load %arg7[%get3A_182, %get3A_183] {strides = array<i32>} : memref<512x32xf32, #tpu.memory_space<vmem>>, vector<16xf32>,
        tpu.vector_store_idx %arg9[%add3A_112, %broadcast_in_dim3A_178], %get3A_184 : memref<32x513xf32, #tpu.memory_space<vmem>>[vector<16xi32>, vector<16xi32>], vector<16xf32>,
        %add3A_185 = arith.constant 5 : i32
        %add3A_186 = arith.addi %add3A_141, %add3A_185 : i32
        %broadcast_in_dim3A_187 = vector.broadcast %add3A_186 : i32 to vector<16xi32>
        %get3A_188 = arith.index_cast %add3A_186 : i32 to index
        %get3A_189 = arith.constant 0 : index
        %get3A_190 = tpu.vector_load %arg7[%get3A_188, %get3A_189] {strides = array<i32>} : memref<512x32xf32, #tpu.memory_space<vmem>>, vector<16xf32>,
        tpu.vector_store_idx %arg9[%iota3A_109, %broadcast_in_dim3A_187], %get3A_190 : memref<32x513xf32, #tpu.memory_space<vmem>>[vector<16xi32>, vector<16xi32>], vector<16xf32>,
        %get3A_191 = arith.index_cast %add3A_186 : i32 to index
        %get3A_192 = arith.constant 16 : index
        %get3A_193 = tpu.vector_load %arg7[%get3A_191, %get3A_192] {strides = array<i32>} : memref<512x32xf32, #tpu.memory_space<vmem>>, vector<16xf32>,
        tpu.vector_store_idx %arg9[%add3A_112, %broadcast_in_dim3A_187], %get3A_193 : memref<32x513xf32, #tpu.memory_space<vmem>>[vector<16xi32>, vector<16xi32>], vector<16xf32>,
        %add3A_194 = arith.constant 6 : i32
        %add3A_195 = arith.addi %add3A_141, %add3A_194 : i32
        %broadcast_in_dim3A_196 = vector.broadcast %add3A_195 : i32 to vector<16xi32>
        %get3A_197 = arith.index_cast %add3A_195 : i32 to index
        %get3A_198 = arith.constant 0 : index
        %get3A_199 = tpu.vector_load %arg7[%get3A_197, %get3A_198] {strides = array<i32>} : memref<512x32xf32, #tpu.memory_space<vmem>>, vector<16xf32>,
        tpu.vector_store_idx %arg9[%iota3A_109, %broadcast_in_dim3A_196], %get3A_199 : memref<32x513xf32, #tpu.memory_space<vmem>>[vector<16xi32>, vector<16xi32>], vector<16xf32>,
        %get3A_200 = arith.index_cast %add3A_195 : i32 to index
        %get3A_201 = arith.constant 16 : index
        %get3A_202 = tpu.vector_load %arg7[%get3A_200, %get3A_201] {strides = array<i32>} : memref<512x32xf32, #tpu.memory_space<vmem>>, vector<16xf32>,
        tpu.vector_store_idx %arg9[%add3A_112, %broadcast_in_dim3A_196], %get3A_202 : memref<32x513xf32, #tpu.memory_space<vmem>>[vector<16xi32>, vector<16xi32>], vector<16xf32>,
        %add3A_203 = arith.constant 7 : i32
        %add3A_204 = arith.addi %add3A_141, %add3A_203 : i32
        %broadcast_in_dim3A_205 = vector.broadcast %add3A_204 : i32 to vector<16xi32>
        %get3A_206 = arith.index_cast %add3A_204 : i32 to index
        %get3A_207 = arith.constant 0 : index
        %get3A_208 = tpu.vector_load %arg7[%get3A_206, %get3A_207] {strides = array<i32>} : memref<512x32xf32, #tpu.memory_space<vmem>>, vector<16xf32>,
        tpu.vector_store_idx %arg9[%iota3A_109, %broadcast_in_dim3A_205], %get3A_208 : memref<32x513xf32, #tpu.memory_space<vmem>>[vector<16xi32>, vector<16xi32>], vector<16xf32>,
        %get3A_209 = arith.index_cast %add3A_204 : i32 to index
        %get3A_210 = arith.constant 16 : index
        %get3A_211 = tpu.vector_load %arg7[%get3A_209, %get3A_210] {strides = array<i32>} : memref<512x32xf32, #tpu.memory_space<vmem>>, vector<16xf32>,
        tpu.vector_store_idx %arg9[%add3A_112, %broadcast_in_dim3A_205], %get3A_211 : memref<32x513xf32, #tpu.memory_space<vmem>>[vector<16xi32>, vector<16xi32>], vector<16xf32>,
        %add3A_212 = arith.constant 8 : i32
        %add3A_213 = arith.addi %add3A_141, %add3A_212 : i32
        %broadcast_in_dim3A_214 = vector.broadcast %add3A_213 : i32 to vector<16xi32>
        %get3A_215 = arith.index_cast %add3A_213 : i32 to index
        %get3A_216 = arith.constant 0 : index
        %get3A_217 = tpu.vector_load %arg7[%get3A_215, %get3A_216] {strides = array<i32>} : memref<512x32xf32, #tpu.memory_space<vmem>>, vector<16xf32>,
        tpu.vector_store_idx %arg9[%iota3A_109, %broadcast_in_dim3A_214], %get3A_217 : memref<32x513xf32, #tpu.memory_space<vmem>>[vector<16xi32>, vector<16xi32>], vector<16xf32>,
        %get3A_218 = arith.index_cast %add3A_213 : i32 to index
        %get3A_219 = arith.constant 16 : index
        %get3A_220 = tpu.vector_load %arg7[%get3A_218, %get3A_219] {strides = array<i32>} : memref<512x32xf32, #tpu.memory_space<vmem>>, vector<16xf32>,
        tpu.vector_store_idx %arg9[%add3A_112, %broadcast_in_dim3A_214], %get3A_220 : memref<32x513xf32, #tpu.memory_space<vmem>>[vector<16xi32>, vector<16xi32>], vector<16xf32>,
        %add3A_221 = arith.constant 9 : i32
        %add3A_222 = arith.addi %add3A_141, %add3A_221 : i32
        %broadcast_in_dim3A_223 = vector.broadcast %add3A_222 : i32 to vector<16xi32>
        %get3A_224 = arith.index_cast %add3A_222 : i32 to index
        %get3A_225 = arith.constant 0 : index
        %get3A_226 = tpu.vector_load %arg7[%get3A_224, %get3A_225] {strides = array<i32>} : memref<512x32xf32, #tpu.memory_space<vmem>>, vector<16xf32>,
        tpu.vector_store_idx %arg9[%iota3A_109, %broadcast_in_dim3A_223], %get3A_226 : memref<32x513xf32, #tpu.memory_space<vmem>>[vector<16xi32>, vector<16xi32>], vector<16xf32>,
        %get3A_227 = arith.index_cast %add3A_222 : i32 to index
        %get3A_228 = arith.constant 16 : index
        %get3A_229 = tpu.vector_load %arg7[%get3A_227, %get3A_228] {strides = array<i32>} : memref<512x32xf32, #tpu.memory_space<vmem>>, vector<16xf32>,
        tpu.vector_store_idx %arg9[%add3A_112, %broadcast_in_dim3A_223], %get3A_229 : memref<32x513xf32, #tpu.memory_space<vmem>>[vector<16xi32>, vector<16xi32>], vector<16xf32>,
        %add3A_230 = arith.constant 10 : i32
        %add3A_231 = arith.addi %add3A_141, %add3A_230 : i32
        %broadcast_in_dim3A_232 = vector.broadcast %add3A_231 : i32 to vector<16xi32>
        %get3A_233 = arith.index_cast %add3A_231 : i32 to index
        %get3A_234 = arith.constant 0 : index
        %get3A_235 = tpu.vector_load %arg7[%get3A_233, %get3A_234] {strides = array<i32>} : memref<512x32xf32, #tpu.memory_space<vmem>>, vector<16xf32>,
        tpu.vector_store_idx %arg9[%iota3A_109, %broadcast_in_dim3A_232], %get3A_235 : memref<32x513xf32, #tpu.memory_space<vmem>>[vector<16xi32>, vector<16xi32>], vector<16xf32>,
        %get3A_236 = arith.index_cast %add3A_231 : i32 to index
        %get3A_237 = arith.constant 16 : index
        %get3A_238 = tpu.vector_load %arg7[%get3A_236, %get3A_237] {strides = array<i32>} : memref<512x32xf32, #tpu.memory_space<vmem>>, vector<16xf32>,
        tpu.vector_store_idx %arg9[%add3A_112, %broadcast_in_dim3A_232], %get3A_238 : memref<32x513xf32, #tpu.memory_space<vmem>>[vector<16xi32>, vector<16xi32>], vector<16xf32>,
        %add3A_239 = arith.constant 11 : i32
        %add3A_240 = arith.addi %add3A_141, %add3A_239 : i32
        %broadcast_in_dim3A_241 = vector.broadcast %add3A_240 : i32 to vector<16xi32>
        %get3A_242 = arith.index_cast %add3A_240 : i32 to index
        %get3A_243 = arith.constant 0 : index
        %get3A_244 = tpu.vector_load %arg7[%get3A_242, %get3A_243] {strides = array<i32>} : memref<512x32xf32, #tpu.memory_space<vmem>>, vector<16xf32>,
        tpu.vector_store_idx %arg9[%iota3A_109, %broadcast_in_dim3A_241], %get3A_244 : memref<32x513xf32, #tpu.memory_space<vmem>>[vector<16xi32>, vector<16xi32>], vector<16xf32>,
        %get3A_245 = arith.index_cast %add3A_240 : i32 to index
        %get3A_246 = arith.constant 16 : index
        %get3A_247 = tpu.vector_load %arg7[%get3A_245, %get3A_246] {strides = array<i32>} : memref<512x32xf32, #tpu.memory_space<vmem>>, vector<16xf32>,
        tpu.vector_store_idx %arg9[%add3A_112, %broadcast_in_dim3A_241], %get3A_247 : memref<32x513xf32, #tpu.memory_space<vmem>>[vector<16xi32>, vector<16xi32>], vector<16xf32>,
        %add3A_248 = arith.constant 12 : i32
        %add3A_249 = arith.addi %add3A_141, %add3A_248 : i32
        %broadcast_in_dim3A_250 = vector.broadcast %add3A_249 : i32 to vector<16xi32>
        %get3A_251 = arith.index_cast %add3A_249 : i32 to index
        %get3A_252 = arith.constant 0 : index
        %get3A_253 = tpu.vector_load %arg7[%get3A_251, %get3A_252] {strides = array<i32>} : memref<512x32xf32, #tpu.memory_space<vmem>>, vector<16xf32>,
        tpu.vector_store_idx %arg9[%iota3A_109, %broadcast_in_dim3A_250], %get3A_253 : memref<32x513xf32, #tpu.memory_space<vmem>>[vector<16xi32>, vector<16xi32>], vector<16xf32>,
        %get3A_254 = arith.index_cast %add3A_249 : i32 to index
        %get3A_255 = arith.constant 16 : index
        %get3A_256 = tpu.vector_load %arg7[%get3A_254, %get3A_255] {strides = array<i32>} : memref<512x32xf32, #tpu.memory_space<vmem>>, vector<16xf32>,
        tpu.vector_store_idx %arg9[%add3A_112, %broadcast_in_dim3A_250], %get3A_256 : memref<32x513xf32, #tpu.memory_space<vmem>>[vector<16xi32>, vector<16xi32>], vector<16xf32>,
        %add3A_257 = arith.constant 13 : i32
        %add3A_258 = arith.addi %add3A_141, %add3A_257 : i32
        %broadcast_in_dim3A_259 = vector.broadcast %add3A_258 : i32 to vector<16xi32>
        %get3A_260 = arith.index_cast %add3A_258 : i32 to index
        %get3A_261 = arith.constant 0 : index
        %get3A_262 = tpu.vector_load %arg7[%get3A_260, %get3A_261] {strides = array<i32>} : memref<512x32xf32, #tpu.memory_space<vmem>>, vector<16xf32>,
        tpu.vector_store_idx %arg9[%iota3A_109, %broadcast_in_dim3A_259], %get3A_262 : memref<32x513xf32, #tpu.memory_space<vmem>>[vector<16xi32>, vector<16xi32>], vector<16xf32>,
        %get3A_263 = arith.index_cast %add3A_258 : i32 to index
        %get3A_264 = arith.constant 16 : index
        %get3A_265 = tpu.vector_load %arg7[%get3A_263, %get3A_264] {strides = array<i32>} : memref<512x32xf32, #tpu.memory_space<vmem>>, vector<16xf32>,
        tpu.vector_store_idx %arg9[%add3A_112, %broadcast_in_dim3A_259], %get3A_265 : memref<32x513xf32, #tpu.memory_space<vmem>>[vector<16xi32>, vector<16xi32>], vector<16xf32>,
        %add3A_266 = arith.constant 14 : i32
        %add3A_267 = arith.addi %add3A_141, %add3A_266 : i32
        %broadcast_in_dim3A_268 = vector.broadcast %add3A_267 : i32 to vector<16xi32>
        %get3A_269 = arith.index_cast %add3A_267 : i32 to index
        %get3A_270 = arith.constant 0 : index
        %get3A_271 = tpu.vector_load %arg7[%get3A_269, %get3A_270] {strides = array<i32>} : memref<512x32xf32, #tpu.memory_space<vmem>>, vector<16xf32>,
        tpu.vector_store_idx %arg9[%iota3A_109, %broadcast_in_dim3A_268], %get3A_271 : memref<32x513xf32, #tpu.memory_space<vmem>>[vector<16xi32>, vector<16xi32>], vector<16xf32>,
        %get3A_272 = arith.index_cast %add3A_267 : i32 to index
        %get3A_273 = arith.constant 16 : index
        %get3A_274 = tpu.vector_load %arg7[%get3A_272, %get3A_273] {strides = array<i32>} : memref<512x32xf32, #tpu.memory_space<vmem>>, vector<16xf32>,
        tpu.vector_store_idx %arg9[%add3A_112, %broadcast_in_dim3A_268], %get3A_274 : memref<32x513xf32, #tpu.memory_space<vmem>>[vector<16xi32>, vector<16xi32>], vector<16xf32>,
        %add3A_275 = arith.constant 15 : i32
        %add3A_276 = arith.addi %add3A_141, %add3A_275 : i32
        %broadcast_in_dim3A_277 = vector.broadcast %add3A_276 : i32 to vector<16xi32>
        %get3A_278 = arith.index_cast %add3A_276 : i32 to index
        %get3A_279 = arith.constant 0 : index
        %get3A_280 = tpu.vector_load %arg7[%get3A_278, %get3A_279] {strides = array<i32>} : memref<512x32xf32, #tpu.memory_space<vmem>>, vector<16xf32>,
        tpu.vector_store_idx %arg9[%iota3A_109, %broadcast_in_dim3A_277], %get3A_280 : memref<32x513xf32, #tpu.memory_space<vmem>>[vector<16xi32>, vector<16xi32>], vector<16xf32>,
        %get3A_281 = arith.index_cast %add3A_276 : i32 to index
        %get3A_282 = arith.constant 16 : index
        %get3A_283 = tpu.vector_load %arg7[%get3A_281, %get3A_282] {strides = array<i32>} : memref<512x32xf32, #tpu.memory_space<vmem>>, vector<16xf32>,
        tpu.vector_store_idx %arg9[%add3A_112, %broadcast_in_dim3A_277], %get3A_283 : memref<32x513xf32, #tpu.memory_space<vmem>>[vector<16xi32>, vector<16xi32>], vector<16xf32>,
      }
      %scan3A_117 = arith.constant 32 : i32
      %dma_start3A_118 = arith.constant 0 : i32
      %dma_start3A_119 = arith.constant 0 : i32
      %dma_start3A_120 = tpu.memref_slice %arg9[%dma_start3A_118, %dma_start3A_119] : memref<32x513xf32, #tpu.memory_space<vmem>> -> memref<32x512xf32, #tpu.memory_space<vmem>>
      %dma_start3A_121 = arith.constant 0 : i32
      %dma_start3A_122 = tpu.memref_slice %arg4[%add3A_96, %dma_start3A_121, %mul3A_2] : memref<50x32x16384xf32, #tpu.memory_space<hbm>> -> memref<1x32x512xf32, #tpu.memory_space<hbm>>
      %dma_start3A_123 = tpu.memref_squeeze %dma_start3A_122 : memref<1x32x512xf32, #tpu.memory_space<hbm>> -> memref<32x512xf32, #tpu.memory_space<hbm>>
      %dma_start3A_124 = arith.constant 0 : i32
      %dma_start3A_125 = tpu.memref_slice %arg4[%add3A_96, %dma_start3A_124, %mul3A_2] : memref<50x32x16384xf32, #tpu.memory_space<hbm>> -> memref<1x32x512xf32, #tpu.memory_space<hbm>>
      %dma_start3A_126 = tpu.memref_squeeze %dma_start3A_125 : memref<1x32x512xf32, #tpu.memory_space<hbm>> -> memref<32x512xf32, #tpu.memory_space<hbm>>
      %dma_start3A_127 = arith.constant 0 : i32
      %dma_start3A_128 = arith.constant 0 : i32
      %dma_start3A_129 = tpu.memref_slice %arg9[%dma_start3A_127, %dma_start3A_128] : memref<32x513xf32, #tpu.memory_space<vmem>> -> memref<32x512xf32, #tpu.memory_space<vmem>>
      tpu.enqueue_dma source(%dma_start3A_129 : memref<32x512xf32, #tpu.memory_space<vmem>>) target(%dma_start3A_126 : memref<32x512xf32, #tpu.memory_space<hbm>>) target_semaphore(%arg13 : memref<!tpu.dma_semaphore, #tpu.memory_space<semaphore_mem>>)
      %add3A_130 = arith.constant 2 : i32
      %add3A_131 = arith.addi %add3A_96, %add3A_130 : i32
      %lt3A_132 = arith.constant 50 : i32
      %lt3A_133 = arith.cmpi slt, %add3A_131, %lt3A_132 : i32
      %convert_element_type3A_134 = arith.extui %lt3A_133 : i1 to i32
      %cond3A_135 = arith.constant 0 : i32
      %cond3A_136 = arith.cmpi ne, %convert_element_type3A_134, %cond3A_135 : i32
      scf.if %cond3A_136 {
        %add3A_137 = arith.constant 2 : i32
        %add3A_138 = arith.addi %add3A_96, %add3A_137 : i32
        %dma_start3A_139 = arith.constant 0 : i32
        %dma_start3A_140 = tpu.memref_slice %arg5[%add3A_138, %dma_start3A_139] : memref<50x512xi32, #tpu.memory_space<vmem>> -> memref<1x512xi32, #tpu.memory_space<vmem>>
        %dma_start3A_141 = tpu.memref_squeeze %dma_start3A_140 : memref<1x512xi32, #tpu.memory_space<vmem>> -> memref<512xi32, #tpu.memory_space<vmem>>
        %dma_start3A_142 = arith.constant 0 : i32
        %dma_start3A_143 = arith.constant 0 : i32
        %dma_start3A_144 = tpu.memref_slice %arg2[%dma_start3A_142, %dma_start3A_143] : memref<1000000x32xf32, #tpu.memory_space<hbm>> -> memref<1000000x32xf32, #tpu.memory_space<hbm>>
        tpu.enqueue_indirect_dma source(%dma_start3A_144 : memref<1000000x32xf32, #tpu.memory_space<hbm>>) target(%arg7 : memref<512x32xf32, #tpu.memory_space<vmem>>) offsets(%dma_start3A_141 : memref<512xi32, #tpu.memory_space<vmem>>) semaphore(%arg11 : memref<!tpu.dma_semaphore, #tpu.memory_space<semaphore_mem>>)
      } else {
      }
    }
    %scan3A_26 = arith.constant 25 : i32
    %dma_wait3A_27 = arith.constant 0 : i32
    %dma_wait3A_28 = arith.constant 0 : i32
    %dma_wait3A_29 = arith.constant 0 : i32
    %dma_wait3A_30 = tpu.memref_slice %arg8[%dma_wait3A_28, %dma_wait3A_29] : memref<32x513xf32, #tpu.memory_space<vmem>> -> memref<32x512xf32, #tpu.memory_space<vmem>>
    %dma_wait3A_31 = arith.constant 0 : i32
    %dma_wait3A_32 = tpu.memref_slice %arg4[%dma_wait3A_27, %dma_wait3A_31, %mul3A_2] : memref<50x32x16384xf32, #tpu.memory_space<hbm>> -> memref<1x32x512xf32, #tpu.memory_space<hbm>>
    %dma_wait3A_33 = tpu.memref_squeeze %dma_wait3A_32 : memref<1x32x512xf32, #tpu.memory_space<hbm>> -> memref<32x512xf32, #tpu.memory_space<hbm>>
    %dma_wait3A_34 = arith.constant 0 : i32
    %dma_wait3A_35 = tpu.memref_slice %arg4[%dma_wait3A_27, %dma_wait3A_34, %mul3A_2] : memref<50x32x16384xf32, #tpu.memory_space<hbm>> -> memref<1x32x512xf32, #tpu.memory_space<hbm>>
    %dma_wait3A_36 = tpu.memref_squeeze %dma_wait3A_35 : memref<1x32x512xf32, #tpu.memory_space<hbm>> -> memref<32x512xf32, #tpu.memory_space<hbm>>
    %dma_wait3A_37 = arith.constant 0 : i32
    %dma_wait3A_38 = arith.constant 0 : i32
    %dma_wait3A_39 = tpu.memref_slice %arg8[%dma_wait3A_37, %dma_wait3A_38] : memref<32x513xf32, #tpu.memory_space<vmem>> -> memref<32x512xf32, #tpu.memory_space<vmem>>
    tpu.wait_dma2 semaphore(%arg12 : memref<!tpu.dma_semaphore, #tpu.memory_space<semaphore_mem>>) src(%dma_wait3A_39 : memref<32x512xf32, #tpu.memory_space<vmem>>) dst(%dma_wait3A_36 : memref<32x512xf32, #tpu.memory_space<hbm>>)
    %dma_wait3A_40 = arith.constant 0 : i32
    %dma_wait3A_41 = arith.constant 0 : i32
    %dma_wait3A_42 = arith.constant 0 : i32
    %dma_wait3A_43 = tpu.memref_slice %arg9[%dma_wait3A_41, %dma_wait3A_42] : memref<32x513xf32, #tpu.memory_space<vmem>> -> memref<32x512xf32, #tpu.memory_space<vmem>>
    %dma_wait3A_44 = arith.constant 0 : i32
    %dma_wait3A_45 = tpu.memref_slice %arg4[%dma_wait3A_40, %dma_wait3A_44, %mul3A_2] : memref<50x32x16384xf32, #tpu.memory_space<hbm>> -> memref<1x32x512xf32, #tpu.memory_space<hbm>>
    %dma_wait3A_46 = tpu.memref_squeeze %dma_wait3A_45 : memref<1x32x512xf32, #tpu.memory_space<hbm>> -> memref<32x512xf32, #tpu.memory_space<hbm>>
    %dma_wait3A_47 = arith.constant 0 : i32
    %dma_wait3A_48 = tpu.memref_slice %arg4[%dma_wait3A_40, %dma_wait3A_47, %mul3A_2] : memref<50x32x16384xf32, #tpu.memory_space<hbm>> -> memref<1x32x512xf32, #tpu.memory_space<hbm>>
    %dma_wait3A_49 = tpu.memref_squeeze %dma_wait3A_48 : memref<1x32x512xf32, #tpu.memory_space<hbm>> -> memref<32x512xf32, #tpu.memory_space<hbm>>
    %dma_wait3A_50 = arith.constant 0 : i32
    %dma_wait3A_51 = arith.constant 0 : i32
    %dma_wait3A_52 = tpu.memref_slice %arg9[%dma_wait3A_50, %dma_wait3A_51] : memref<32x513xf32, #tpu.memory_space<vmem>> -> memref<32x512xf32, #tpu.memory_space<vmem>>
    tpu.wait_dma2 semaphore(%arg13 : memref<!tpu.dma_semaphore, #tpu.memory_space<semaphore_mem>>) src(%dma_wait3A_52 : memref<32x512xf32, #tpu.memory_space<vmem>>) dst(%dma_wait3A_49 : memref<32x512xf32, #tpu.memory_space<hbm>>)
    return
  }
}

</mosaic_0001>

<sc_bundles>
// kernel: kernel.3.cloned.1.call-start
scs
__scs_entry_jumppad:
0x0: {  	(pc) =	sbr.rel $0x88, $3  }
0x1: {  	(tag) =	ssettag $0x0;
	lr =	simm.s32 $0x1  }
0x2: {  	[smem:$0x3F9F] =	sst lr;
	_ =	strace $0xD0000000  }
0x3: {  	_ = 	snop  }
0x4: {  	_ = 	snop  }
0x5: {  	_ = 	snop  }
0x6: {  	_ = 	snop  }
0x7: {  	_ = 	snop  }
__scs_overlays_trampoline_lowered:
0x8: {  	[smem:$0x3FAE] =	sst s0  }
0x9: {  	[smem:$0x3FAF] =	sst s1  }
0xa: {  	[smem:$0x3FB0] =	sst s2  }
0xb: {  	[smem:$0x3FB1] =	sst s3  }
0xc: {  	[smem:$0x3FB2] =	sst s4  }
0xd: {  	[smem:$0x3FB3] =	sst s5  }
0xe: {  	[smem:$0x3FB4] =	sst s6  }
0xf: {  	[smem:$0x3FB5] =	sst s7  }
0x10: {  	[smem:$0x3FB6] =	sst s8  }
0x11: {  	[smem:$0x3FB7] =	sst s9;
	s0 =	simm.s32 @!p0 $0x0  }
0x12: {  	s1 =	sld [smem:$0x3F9D];
	s0 =	simm.s32 @p0 $0x1  }
0x13: {  	[smem:$0x3FB8] =	sst s0;
	s0 =	simm.s32 @!p1 $0x0  }
0x14: {  	s2 =	sld [smem:$0x3F9C];
	s0 =	simm.s32 @p1 $0x1  }
0x15: {  	[smem:$0x3FB9] =	sst s0;
	s0 =	simm.s32 @!p2 $0x0  }
0x16: {  	s3 =	sld [smem:$0x3FDB];
	s0 =	simm.s32 @p2 $0x1  }
0x17: {  	s4 =	simm.s32 $0x1BF5;
	[smem:$0x3FBB] =	sst s0  }
0x18: {  	s0 =	sld [smem:$0x3F9E];
	_ =	swait.ge [sflag:s4], $0x0  }
0x19: {  	s7 =	sld [smem:$0x3F9F]  }
0x1a: {  	s8 =	sadd.s32 $0xFFFFE003, lr  }
0x1b: {  	s9 =	sadd.s32 $0xFFFFFEF7, lr;
	s5 =	simm.s32 $0xFFFFFFFF;
	p2 =	slt.u32 s8, $0xFFFFF086  }
0x1c: {  	p1 =	slt.u32 s9, $0xF7A;
	s5 =	simm.s32 @!p2 $0x0  }
0x1d: {  	s5 =	simm.s32 @p1 $0x1;
	p0 =	seq.s32 s7, s2  }
0x1e: {  	s7 =	smul.u32 @!p0 $0xF7A, s2;
	p2 =	seq.s32 @!p0 s5, $0x0  }
0x1f: {  	s9 =	smul.u32 $0xF7A, s1;
	s8 =	simm.s32 @!p0 $0x1BF5;
	p2 =	por !p2, p0  }
0x20: {  	[sflag:s8] =	ssyncset.s32 @!p0 $0xFFFFF086;
	s6 =	sadd.s32 @!p0 s3, s7;
	s7 =	simm.s32 @!p0 $0x108  }
0x21: {  	s3 =	sadd.s32 s3, s9;
	s6 =	sadd.s32 @!p0 $0x88, s6;
	s7 =	simm.s32 @p2 $0x1082  }
0x22: {  	[simem:s7], [sflag:s8] =	dma.local @!p0 [hbm:s6], $0xF7A  }
0x23: {  	s9 =	sor.u32 $0xD0000000, s2;
	s6 =	simm.s32 $0x108;
	_ =	swait.ge @!p0 [sflag:s8], $0x0  }
0x24: {  	s3 =	sadd.s32 $0x88, s3;
	s6 =	simm.s32 @!p1 $0x1082;
	[sflag:s4] =	ssyncset.s32 $0xFFFFF086  }
0x25: {  	[simem:s6], [sflag:s4] =	dma.local [hbm:s3], $0xF7A  }
0x26: {  	[smem:$0x3F9F] =	sst s1;
	(tag) =	ssettag s2;
	_ =	strace s9  }
0x27: {  	s1 =	sld [smem:$0x3FAF]  }
0x28: {  	s2 =	sld [smem:$0x3FB0]  }
0x29: {  	s4 =	sld [smem:$0x3FB2]  }
0x2a: {  	p0 =	seq.s32 s5, $0x0;
	s5 =	sld [smem:$0x3FB3]  }
0x2b: {  	s6 =	sld [smem:$0x3FB4]  }
0x2c: {  	s7 =	sld [smem:$0x3FB5]  }
0x2d: {  	s3 =	simm.s32 $0x108;
	s8 =	sld [smem:$0x3FB6]  }
0x2e: {  	s3 =	simm.s32 @!p0 $0x1082;
	s9 =	sld [smem:$0x3FB7]  }
0x2f: {  	lr =	sadd.s32 s0, s3;
	s0 =	sld [smem:$0x3FAE]  }
0x30: {  	s3 =	sld [smem:$0x3FB1]  }
0x31: {  	[smem:$0x3FBA] =	sst s10  }
0x32: {  	s10 =	sld [smem:$0x3FB8];
	_ =	sdelay $0x3  }
0x33: {  	p0 =	seq.s32 s10, $0x1;
	s10 =	sld [smem:$0x3FBA];
	_ =	sdelay $0x3  }
0x34: {  	[smem:$0x3FBA] =	sst s10  }
0x35: {  	s10 =	sld [smem:$0x3FB9];
	_ =	sdelay $0x3  }
0x36: {  	p1 =	seq.s32 s10, $0x1;
	s10 =	sld [smem:$0x3FBA];
	_ =	sdelay $0x3  }
0x37: {  	[smem:$0x3FBA] =	sst s10  }
0x38: {  	s10 =	sld [smem:$0x3FBB]  }
0x39: {  	_ = 	snop;
	(pc) =	sbr.ind lr, $3  }
0x3a: {  	_ = 	snop  }
0x3b: {  	_ = 	snop  }
0x3c: {  	p2 =	seq.s32 s10, $0x1;
	s10 =	sld [smem:$0x3FBA]  }
0x3d: {  	_ =	shalt  }
0x3e: {  	_ =	shalt  }
0x3f: {  	_ =	shalt  }
0x40: {  	_ =	shalt  }
0x41: {  	_ =	shalt  }
0x42: {  	_ =	shalt  }
0x43: {  	_ =	shalt  }
0x44: {  	_ =	shalt  }
0x45: {  	_ =	shalt  }
0x46: {  	_ =	shalt  }
0x47: {  	_ =	shalt  }
0x48: {  	_ =	shalt  }
0x49: {  	_ =	shalt  }
0x4a: {  	_ =	shalt  }
0x4b: {  	_ =	shalt  }
0x4c: {  	_ =	shalt  }
0x4d: {  	_ =	shalt  }
0x4e: {  	_ =	shalt  }
0x4f: {  	_ =	shalt  }
0x50: {  	_ =	shalt  }
0x51: {  	_ =	shalt  }
0x52: {  	_ =	shalt  }
0x53: {  	_ =	shalt  }
0x54: {  	_ =	shalt  }
0x55: {  	_ =	shalt  }
0x56: {  	_ =	shalt  }
0x57: {  	_ =	shalt  }
0x58: {  	_ =	shalt  }
0x59: {  	_ =	shalt  }
0x5a: {  	_ =	shalt  }
0x5b: {  	_ =	shalt  }
0x5c: {  	_ =	shalt  }
0x5d: {  	_ =	shalt  }
0x5e: {  	_ =	shalt  }
0x5f: {  	_ =	shalt  }
0x60: {  	_ =	shalt  }
0x61: {  	_ =	shalt  }
0x62: {  	_ =	shalt  }
0x63: {  	_ =	shalt  }
0x64: {  	_ =	shalt  }
0x65: {  	_ =	shalt  }
0x66: {  	_ =	shalt  }
0x67: {  	_ =	shalt  }
0x68: {  	_ =	shalt  }
0x69: {  	_ =	shalt  }
0x6a: {  	_ =	shalt  }
0x6b: {  	_ =	shalt  }
0x6c: {  	_ =	shalt  }
0x6d: {  	_ =	shalt  }
0x6e: {  	_ =	shalt  }
0x6f: {  	_ =	shalt  }
0x70: {  	_ =	shalt  }
0x71: {  	_ =	shalt  }
0x72: {  	_ =	shalt  }
0x73: {  	_ =	shalt  }
0x74: {  	_ =	shalt  }
0x75: {  	_ =	shalt  }
0x76: {  	_ =	shalt  }
0x77: {  	_ =	shalt  }
0x78: {  	_ =	shalt  }
0x79: {  	_ =	shalt  }
0x7a: {  	_ =	shalt  }
0x7b: {  	_ =	shalt  }
0x7c: {  	_ =	shalt  }
0x7d: {  	_ =	shalt  }
0x7e: {  	_ =	shalt  }
0x7f: {  	_ =	shalt  }
0x80: {  	_ =	shalt  }
0x81: {  	_ =	shalt  }
0x82: {  	_ =	shalt  }
0x83: {  	_ =	shalt  }
0x84: {  	_ =	shalt  }
0x85: {  	_ =	shalt  }
0x86: {  	_ =	shalt  }
0x87: {  	_ =	shalt  }
.Lfunc_end0:
.L_simem_size_0:
called_computation_lowered:
.L_overlay_start_0:
0x88: {  	s2 =	sld [smem:$0x3FD9]  }
0x89: {  	s3 =	sld [smem:$0x3FFE];
	_ =	sdelay $0x1  }
0x8a: {  	s1 =	srdreg.scid  }
0x8b: {  	s0 =	sand.u32 $0x1, s1  }
0x8c: {  	s17 =	sshll.u32 s0, $0xA;
	s2 =	sadd.s32 s3, s2  }
0x8d: {  	s2 =	sadd.s32 s2, s17  }
0x8e: {  	[smem:$0x3FC6] =	sst s2  }
0x8f: {  	_ = 	snop  }
0x90: {  	s2 =	sld [smem:$0x3FD0];
	(tm) =	ssettm $0x1  }
0x91: {  	s18 =	sld [smem:$0x3FFB];
	_ =	sdelay $0x3  }
0x92: {  	_ =	strace s18  }
0x93: {  	s3 =	sld [smem:$0x3FFC];
	_ =	sdelay $0x3  }
0x94: {  	_ =	strace s3  }
0x95: {  	s3 =	sld [smem:$0x3FFD];
	_ =	sdelay $0x3  }
0x96: {  	_ =	strace s3  }
0x97: {  	_ =	strace $0x8FFFFFFF  }
0x98: {  	s19 =	sld [smem:$0x3FDB];
	_ =	sdelay $0x1  }
0x99: {  	s4 =	simm.s32 $_scs_section_size  }
0x9a: {  	s5 =	simm.s32 $_size__tile_overlayer_lowered;
	s6 =	simm.s32 $_tile_overlayer_lowered  }
0x9b: {  	s22 =	simm.s32 $0x1BFF;
	s21 =	sshll.u32 s6, $0x1;
	s3 =	sadd.s32 s4, s19  }
0x9c: {  	s7 =	simm.s32 $0x0;
	s20 =	sshll.u32 s5, $0x1;
	s5 =	sadd.s32 s21, s3  }
0x9d: {  	[timem:s7], [sflag:s22] =	dma.local [hbm:s5], s20  }
0x9e: {  	_ =	swait.ge [sflag:s22], s20  }
0x9f: {  	s4 =	ssub.s32 $0x0, s20;
	[sflag:s22] =	ssyncset.done $0x0  }
0xa0: {  	[sflag:s22] =	ssyncadd.s32 s4;
	_ =	sdelay $0x1  }
0xa1: {  	s23 =	simm.s32 $0x1B8B  }
0xa2: {  	_ =	swait.ge [sflag:s23], $0x1  }
0xa3: {  	[sflag:s23] =	ssyncset.done $0x0  }
0xa4: {  	s25 =	simm.s32 $0x1B8E;
	s24 =	sld [smem:$0x3FFE];
	[sflag:s23] =	ssyncadd.s32 $0xFFFFFFFF  }
0xa5: {  	s26 =	simm.s32 $execute0_lowered;
	[smem:$0x3FD2] =	sst s25  }
0xa6: {  	s5 =	sshll.u32 s26, $0x1;
	_ =	strace $0x80000046;
	[dreg:$0x1] =	wrdreg $0xFFFFFFFF  }
0xa7: {  	s28 =	simm.s32 $_size_execute0_lowered;
	s3 =	sadd.s32 s3, s5;
	[dreg:$0x0] =	wrdreg $0x0  }
0xa8: {  	s5 =	sshll.u32 s28, $0x1;
	[dreg:$0x2] =	wrdreg s3  }
0xa9: {  	[dreg:$0x3] =	wrdreg s5  }
0xaa: {  	[dreg:$0x4] =	wrdreg $0xC0  }
0xab: {  	_ =	task [dreg:s7], $0x5FFFF  }
0xac: {  	[dreg:$0x1] =	wrdreg $0xFFFFFFFF  }
0xad: {  	[dreg:$0x0] =	wrdreg $0x60  }
0xae: {  	[dreg:$0x2] =	wrdreg s24  }
0xaf: {  	[dreg:$0x3] =	wrdreg s2  }
0xb0: {  	[dreg:$0x4] =	wrdreg $0x9  }
0xb1: {  	_ =	task.clear_ibuf [dreg:s7], $0x5FFFF;
	_ =	strace $0x90000046  }
0xb2: {  	s29 =	simm.s32 $0x9;
	_ =	strace $0x80000048  }
0xb3: {  	_ =	swait.ge [sflag:s29], $0x1  }
0xb4: {  	[sflag:s29] =	ssyncadd.s32 $0xFFFFFFFF  }
0xb5: {  	_ =	strace $0x90000048  }
0xb6: {  	_ =	sfence  }
0xb7: {  	s30 =	sld [smem:$0x0];
	_ =	sdelay $0x2  }
0xb8: {  	s31 =	sshll.u32 s1, $0xD;
	s1 =	sshrl.u32 s1, $0x2  }
0xb9: {  	s3 =	sand.u32 $0x4000, s31;
	s1 =	sadd.s32 s1, s30  }
0xba: {  	s0 =	sor.u32 s3, s0;
	s1 =	sshll.u32 s1, $0x11  }
0xbb: {  	s0 =	sor.u32 s1, s0  }
0xbc: {  	s0 =	sadd.s32 $0x8F2B, s0  }
0xbd: {  	[sflag:s0] =	ssyncadd.remote.s32 $0x1  }
0xbe: {  	_ =	sfence.sel $0xFFFF  }
0xbf: {  	[dreg:$0x0] =	wrdreg $0xFFFFFFFF;
	(pc) =	sbr.abs _section_cstart, $3  }
0xc0: {  	[dreg:$0x1] =	wrdreg $0xFFFFFFFF  }
0xc1: {  	_ =	task.clear_ibuf [dreg:s7], $0x2FFFF;
	_ =	strace $0x9FFFFFFF  }
0xc2: {  	(tm) =	ssettm $0x7FFFFFFF  }
0xc3: {  	_ =	shalt  }
tec
execute0_lowered:
.L_overlay_start_1:
0x0: {  	(tag) =	ssettag $0x1  }
0x1: {  	s7 =	rddreg [dreg:$0x0]  }
0x2: {  	s6 =	rddreg [dreg:$0x1]  }
0x3: {  	s0 =	rddreg [dreg:$0x2];
	s2 =	simm.s32 $0x0  }
0x4: {  	s3 =	srdreg.scid;
	s1 =	stileid.u32;
	s10 =	simm.s32 $0x4000  }
0x5: {  	s11 =	simm.s32 $0x5;
	s12 =	simm.s32 $0x6400;
	s13 =	simm.s32 $0xA400  }
0x6: {  	v0 =	vlaneseq.u32;
	s14 =	simm.s32 $0x1;
	s15 =	simm.s32 $0xE400;
	s16 =	simm.s32 $0x2  }
0x7: {  	v1 =	vimm.s32 $0x0;
	vm0 =	vcmask $0x300;
	s17 =	simm.s32 $0x4;
	s18 =	simm.s32 $0x12500;
	s19 =	simm.s32 $0x3;
	v0 =	vmul.u32 $0x208, v0  }
0x8: {  	s20 =	simm.s32 $0x0;
	[smem:$0x7FF] =	sst s2;
	s3 =	sand.u32 $0x1, s3;
	v1 =	vsel vm0, $0x3, v1  }
.Ltmp0:
0x9: {  	s4 =	sshll.u32 s1, $0xA;
	_ =	strace $0x80000047;
	v2 =	vadd.s32 $0x2080, v0;
	v3 =	vor.u32 $0x1, v0;
	v4 =	vadd.s32 $0x2081, v0;
	(pc) =	sbr.rel .LBB2_1-.Ltmp0, $4  }
0xa: {  	s8 =	ssub.s32 $0x2, s3;
	s5 =	sshll.u32 s3, $0x9;
	s3 =	sadd.s32 $0xF42A00, s7;
	v5 =	vor.u32 $0x2, v0;
	v6 =	vadd.s32 $0x2082, v0;
	v7 =	vor.u32 $0x3, v0  }
0xb: {  	s9 =	sshrl.u32 s8, $0x1;
	s4 =	sor.u32 s5, s4;
	s5 =	sadd.s32 $0x600, s7;
	v8 =	vadd.s32 $0x2083, v0;
	v9 =	vor.u32 $0x4, v0;
	v10 =	vadd.s32 $0x2084, v0  }
0xc: {  	s7 =	sadd.s32 $0x10600, s7;
	v11 =	vor.u32 $0x5, v0;
	v12 =	vadd.s32 $0x2085, v0;
	v13 =	vor.u32 $0x6, v0;
	s8 =	ssub.s32 s8, s9;
	s31 =	sshrl.u32 s4, $0x3  }
0xd: {  	v14 =	vadd.s32 $0x2086, v0;
	v15 =	vor.u32 $0x7, v0;
	v16 =	vadd.s32 $0x2087, v0;
	s9 =	simm.s32 $0x200;
	s6 =	sadd.s32 s6, s31;
	s8 =	smax.u32 s8, $0x1  }
.LBB2_16:
0xe: {  	s20 =	sadd.s32 $0x1, s20  }
0xf: {  	_ =	swait.ge [sflag:s19], $0x4000;
	p0 =	sne.s32 s20, s8  }
.Ltmp1:
0x10: {  	[sflag:s19] =	ssyncset.done $0x0;
	(pc) =	sbr.rel @!p0 .LBB2_17-.Ltmp1, $4  }
0x11: {  	[sflag:s19] =	ssyncadd.s32 $0xFFFFC000  }
0x12: {  	_ =	swait.ge [sflag:s17], $0x4000  }
0x13: {  	[sflag:s17] =	ssyncset.done $0x0  }
0x14: {  	[sflag:s17] =	ssyncadd.s32 $0xFFFFC000  }
.LBB2_1:
0x15: {  	[tilespmem:s2], [sflag:$0x5] =	stream.strided.gather [hbm4b:s6+s9], $0x6400, s10, s9, $0x38;
	[tilespmem:$0x16600] =	vst v63  }
0x16: {  	_ =	swait.ge [sflag:s11], $0x6400  }
0x17: {  	[sflag:s11] =	ssyncset.done $0x0  }
0x18: {  	[sflag:s11] =	ssyncadd.s32 $0xFFFF9C00  }
0x19: {  	[tilespmem:s12], [sflag:$0x1] =	stream.indirect.gather [hbm4b:s3+s9], $0x20, s2, s9, $0xb8;
	[tilespmem:$0x16600] =	vst v63  }
0x1a: {  	s21 =	simm.s32 $0x0  }
0x1b: {  	[tilespmem:s13], [sflag:$0x2] =	stream.indirect.gather [hbm4b:s3+s9], $0x20, s9, s9, $0xb8;
	[tilespmem:$0x16600] =	vst v63  }
.LBB2_2:
0x1c: {  	_ =	swait.ge [sflag:s14], $0x4000;
	s22 =	simm.s32 $0x0  }
0x1d: {  	p0 =	seq.s32 s21, $0x0;
	[sflag:s14] =	ssyncset.done $0x0;
	v17 =	vmov s22  }
0x1e: {  	s22 =	simm.s32 @!p0 $0x3;
	[sflag:s14] =	ssyncadd.s32 $0xFFFFC000;
	v17 =	vshrl.u32 v17, $0x3  }
0x1f: {  	_ =	swait.ge @!p0 [sflag:s22], $0x4000;
	v17 =	vshll.u32 v17, v1  }
0x20: {  	[sflag:s22] =	ssyncset.done @!p0 $0x0;
	v17 =	vbroadcast v17, $0x0  }
0x21: {  	s23 =	simm.s32 $0x6500;
	[sflag:s22] =	ssyncadd.s32 @!p0 $0xFFFFC000  }
0x22: {  	v18 =	vld [tilespmem:s23+$0xFFFFFF00];
	v19 =	vadd.s32 v0, v17;
	_ =	sdelay $0x4  }
0x23: {  	[tilespmem:v19+s15+$0x0] =	vst.idx.msk $0xffff, v18  }
0x24: {  	s31 =	simm.s32 $0x1;
	v17 =	vadd.s32 v2, v17;
	v18 =	vld [tilespmem:s23+$0xFFFFFF10]  }
0x25: {  	v19 =	vmov s31  }
0x26: {  	v19 =	vshrl.u32 v19, $0x3  }
0x27: {  	v19 =	vshll.u32 v19, v1  }
0x28: {  	v19 =	vbroadcast v19, $0x0  }
0x29: {  	[tilespmem:v17+s15+$0x0] =	vst.idx.msk $0xffff, v18  }
0x2a: {  	v18 =	vadd.s32 v3, v19;
	v17 =	vld [tilespmem:s23+$0xFFFFFF20];
	_ =	sdelay $0x4  }
0x2b: {  	[tilespmem:v18+s15+$0x0] =	vst.idx.msk $0xffff, v17  }
0x2c: {  	s24 =	simm.s32 $0x2;
	v18 =	vadd.s32 v4, v19;
	v17 =	vld [tilespmem:s23+$0xFFFFFF30]  }
0x2d: {  	v19 =	vmov s24  }
0x2e: {  	v19 =	vshrl.u32 v19, $0x3  }
0x2f: {  	v19 =	vshll.u32 v19, v1  }
0x30: {  	v19 =	vbroadcast v19, $0x0  }
0x31: {  	[tilespmem:v18+s15+$0x0] =	vst.idx.msk $0xffff, v17  }
0x32: {  	v18 =	vadd.s32 v5, v19;
	v17 =	vld [tilespmem:s23+$0xFFFFFF40];
	_ =	sdelay $0x4  }
0x33: {  	[tilespmem:v18+s15+$0x0] =	vst.idx.msk $0xffff, v17  }
0x34: {  	s25 =	simm.s32 $0x3;
	v18 =	vadd.s32 v6, v19;
	v17 =	vld [tilespmem:s23+$0xFFFFFF50]  }
0x35: {  	v19 =	vmov s25  }
0x36: {  	v19 =	vshrl.u32 v19, $0x3  }
0x37: {  	v19 =	vshll.u32 v19, v1  }
0x38: {  	v19 =	vbroadcast v19, $0x0  }
0x39: {  	[tilespmem:v18+s15+$0x0] =	vst.idx.msk $0xffff, v17  }
0x3a: {  	v18 =	vadd.s32 v7, v19;
	v17 =	vld [tilespmem:s23+$0xFFFFFF60];
	_ =	sdelay $0x4  }
0x3b: {  	[tilespmem:v18+s15+$0x0] =	vst.idx.msk $0xffff, v17  }
0x3c: {  	s26 =	simm.s32 $0x4;
	v18 =	vadd.s32 v8, v19;
	v17 =	vld [tilespmem:s23+$0xFFFFFF70]  }
0x3d: {  	v19 =	vmov s26  }
0x3e: {  	v19 =	vshrl.u32 v19, $0x3  }
0x3f: {  	v19 =	vshll.u32 v19, v1  }
0x40: {  	v19 =	vbroadcast v19, $0x0  }
0x41: {  	[tilespmem:v18+s15+$0x0] =	vst.idx.msk $0xffff, v17  }
0x42: {  	v18 =	vadd.s32 v9, v19;
	v17 =	vld [tilespmem:s23+$0xFFFFFF80];
	_ =	sdelay $0x4  }
0x43: {  	[tilespmem:v18+s15+$0x0] =	vst.idx.msk $0xffff, v17  }
0x44: {  	s28 =	simm.s32 $0x5;
	v18 =	vadd.s32 v10, v19;
	v17 =	vld [tilespmem:s23+$0xFFFFFF90]  }
0x45: {  	v19 =	vmov s28  }
0x46: {  	v19 =	vshrl.u32 v19, $0x3  }
0x47: {  	v19 =	vshll.u32 v19, v1  }
0x48: {  	v19 =	vbroadcast v19, $0x0  }
0x49: {  	[tilespmem:v18+s15+$0x0] =	vst.idx.msk $0xffff, v17  }
0x4a: {  	v18 =	vadd.s32 v11, v19;
	v17 =	vld [tilespmem:s23+$0xFFFFFFA0];
	_ =	sdelay $0x4  }
0x4b: {  	[tilespmem:v18+s15+$0x0] =	vst.idx.msk $0xffff, v17  }
0x4c: {  	s29 =	simm.s32 $0x6;
	v18 =	vadd.s32 v12, v19;
	v17 =	vld [tilespmem:s23+$0xFFFFFFB0]  }
0x4d: {  	v19 =	vmov s29  }
0x4e: {  	v19 =	vshrl.u32 v19, $0x3  }
0x4f: {  	v19 =	vshll.u32 v19, v1  }
0x50: {  	v19 =	vbroadcast v19, $0x0  }
0x51: {  	[tilespmem:v18+s15+$0x0] =	vst.idx.msk $0xffff, v17  }
0x52: {  	v18 =	vadd.s32 v13, v19;
	v17 =	vld [tilespmem:s23+$0xFFFFFFC0];
	_ =	sdelay $0x4  }
0x53: {  	[tilespmem:v18+s15+$0x0] =	vst.idx.msk $0xffff, v17  }
0x54: {  	s30 =	simm.s32 $0x7;
	v18 =	vadd.s32 v14, v19;
	v17 =	vld [tilespmem:s23+$0xFFFFFFD0]  }
0x55: {  	v19 =	vmov s30  }
0x56: {  	v19 =	vshrl.u32 v19, $0x3  }
0x57: {  	v19 =	vshll.u32 v19, v1  }
0x58: {  	v19 =	vbroadcast v19, $0x0  }
0x59: {  	[tilespmem:v18+s15+$0x0] =	vst.idx.msk $0xffff, v17  }
0x5a: {  	v18 =	vadd.s32 v15, v19;
	v17 =	vld [tilespmem:s23+$0xFFFFFFE0];
	_ =	sdelay $0x4  }
0x5b: {  	[tilespmem:v18+s15+$0x0] =	vst.idx.msk $0xffff, v17  }
0x5c: {  	s31 =	simm.s32 $0x8;
	v18 =	vadd.s32 v16, v19;
	v17 =	vld [tilespmem:s23+$0xFFFFFFF0]  }
0x5d: {  	v19 =	vmov s31  }
0x5e: {  	v19 =	vshrl.u32 v19, $0x3  }
0x5f: {  	v19 =	vshll.u32 v19, v1  }
0x60: {  	v19 =	vbroadcast v19, $0x0  }
0x61: {  	[tilespmem:v18+s15+$0x0] =	vst.idx.msk $0xffff, v17  }
0x62: {  	v18 =	vadd.s32 v0, v19;
	v17 =	vld [tilespmem:s23+$0x0];
	_ =	sdelay $0x4  }
0x63: {  	[tilespmem:v18+s15+$0x0] =	vst.idx.msk $0xffff, v17  }
0x64: {  	s24 =	simm.s32 $0x9;
	v18 =	vadd.s32 v2, v19;
	v17 =	vld [tilespmem:s23+$0x10]  }
0x65: {  	v19 =	vmov s24  }
0x66: {  	v19 =	vshrl.u32 v19, $0x3  }
0x67: {  	v19 =	vshll.u32 v19, v1  }
0x68: {  	v19 =	vbroadcast v19, $0x0  }
0x69: {  	[tilespmem:v18+s15+$0x0] =	vst.idx.msk $0xffff, v17  }
0x6a: {  	v18 =	vadd.s32 v3, v19;
	v17 =	vld [tilespmem:s23+$0x20];
	_ =	sdelay $0x4  }
0x6b: {  	[tilespmem:v18+s15+$0x0] =	vst.idx.msk $0xffff, v17  }
0x6c: {  	s25 =	simm.s32 $0xA;
	v18 =	vadd.s32 v4, v19;
	v17 =	vld [tilespmem:s23+$0x30]  }
0x6d: {  	v19 =	vmov s25  }
0x6e: {  	v19 =	vshrl.u32 v19, $0x3  }
0x6f: {  	v19 =	vshll.u32 v19, v1  }
0x70: {  	v19 =	vbroadcast v19, $0x0  }
0x71: {  	[tilespmem:v18+s15+$0x0] =	vst.idx.msk $0xffff, v17  }
0x72: {  	v18 =	vadd.s32 v5, v19;
	v17 =	vld [tilespmem:s23+$0x40];
	_ =	sdelay $0x4  }
0x73: {  	[tilespmem:v18+s15+$0x0] =	vst.idx.msk $0xffff, v17  }
0x74: {  	s26 =	simm.s32 $0xB;
	v18 =	vadd.s32 v6, v19;
	v17 =	vld [tilespmem:s23+$0x50]  }
0x75: {  	v19 =	vmov s26  }
0x76: {  	v19 =	vshrl.u32 v19, $0x3  }
0x77: {  	v19 =	vshll.u32 v19, v1  }
0x78: {  	v19 =	vbroadcast v19, $0x0  }
0x79: {  	[tilespmem:v18+s15+$0x0] =	vst.idx.msk $0xffff, v17  }
0x7a: {  	v18 =	vadd.s32 v7, v19;
	v17 =	vld [tilespmem:s23+$0x60];
	_ =	sdelay $0x4  }
0x7b: {  	[tilespmem:v18+s15+$0x0] =	vst.idx.msk $0xffff, v17  }
0x7c: {  	s28 =	simm.s32 $0xC;
	v18 =	vadd.s32 v8, v19;
	v17 =	vld [tilespmem:s23+$0x70]  }
0x7d: {  	v19 =	vmov s28  }
0x7e: {  	v19 =	vshrl.u32 v19, $0x3  }
0x7f: {  	v19 =	vshll.u32 v19, v1  }
0x80: {  	v19 =	vbroadcast v19, $0x0  }
0x81: {  	[tilespmem:v18+s15+$0x0] =	vst.idx.msk $0xffff, v17  }
0x82: {  	v18 =	vadd.s32 v9, v19;
	v17 =	vld [tilespmem:s23+$0x80];
	_ =	sdelay $0x4  }
0x83: {  	[tilespmem:v18+s15+$0x0] =	vst.idx.msk $0xffff, v17  }
0x84: {  	s29 =	simm.s32 $0xD;
	v18 =	vadd.s32 v10, v19;
	v17 =	vld [tilespmem:s23+$0x90]  }
0x85: {  	v19 =	vmov s29  }
0x86: {  	v19 =	vshrl.u32 v19, $0x3  }
0x87: {  	v19 =	vshll.u32 v19, v1  }
0x88: {  	v19 =	vbroadcast v19, $0x0  }
0x89: {  	[tilespmem:v18+s15+$0x0] =	vst.idx.msk $0xffff, v17  }
0x8a: {  	v18 =	vadd.s32 v11, v19;
	v17 =	vld [tilespmem:s23+$0xA0];
	_ =	sdelay $0x4  }
0x8b: {  	[tilespmem:v18+s15+$0x0] =	vst.idx.msk $0xffff, v17  }
0x8c: {  	s30 =	simm.s32 $0xE;
	v18 =	vadd.s32 v12, v19;
	v17 =	vld [tilespmem:s23+$0xB0]  }
0x8d: {  	v19 =	vmov s30  }
0x8e: {  	v19 =	vshrl.u32 v19, $0x3  }
0x8f: {  	v19 =	vshll.u32 v19, v1  }
0x90: {  	v19 =	vbroadcast v19, $0x0  }
0x91: {  	[tilespmem:v18+s15+$0x0] =	vst.idx.msk $0xffff, v17  }
0x92: {  	v18 =	vadd.s32 v13, v19;
	v17 =	vld [tilespmem:s23+$0xC0];
	_ =	sdelay $0x4  }
0x93: {  	[tilespmem:v18+s15+$0x0] =	vst.idx.msk $0xffff, v17  }
0x94: {  	s31 =	simm.s32 $0xF;
	v18 =	vadd.s32 v14, v19;
	v17 =	vld [tilespmem:s23+$0xD0]  }
0x95: {  	v19 =	vmov s31  }
0x96: {  	v19 =	vshrl.u32 v19, $0x3  }
0x97: {  	v19 =	vshll.u32 v19, v1  }
0x98: {  	v19 =	vbroadcast v19, $0x0  }
0x99: {  	[tilespmem:v18+s15+$0x0] =	vst.idx.msk $0xffff, v17  }
0x9a: {  	v18 =	vadd.s32 v15, v19;
	v17 =	vld [tilespmem:s23+$0xE0];
	_ =	sdelay $0x4  }
0x9b: {  	s22 =	sshll.u32 s21, $0xC;
	[tilespmem:v18+s15+$0x0] =	vst.idx.msk $0xffff, v17  }
0x9c: {  	s24 =	simm.s32 $0x1F;
	s25 =	simm.s32 $0x2F;
	s26 =	simm.s32 $0x10;
	v18 =	vadd.s32 v16, v19;
	v17 =	vld [tilespmem:s23+$0xF0]  }
.LBB2_3:
0x9d: {  	p1 =	sne.s32 s25, $0x1FF;
	v19 =	vmov s26  }
0x9e: {  	v19 =	vshrl.u32 v19, $0x3  }
0x9f: {  	v19 =	vshll.u32 v19, v1  }
0xa0: {  	v19 =	vbroadcast v19, $0x0  }
0xa1: {  	s23 =	sadd.s32 $0x200, s23;
	[tilespmem:v18+s15+$0x0] =	vst.idx.msk $0xffff, v17  }
0xa2: {  	v17 =	vld [tilespmem:s23+$0xFFFFFF00];
	v18 =	vadd.s32 v0, v19;
	_ =	sdelay $0x4  }
0xa3: {  	[tilespmem:v18+s15+$0x0] =	vst.idx.msk $0xffff, v17  }
0xa4: {  	s26 =	sadd.s32 $0xFFFFFFF2, s24;
	v18 =	vadd.s32 v2, v19;
	v17 =	vld [tilespmem:s23+$0xFFFFFF10]  }
0xa5: {  	v19 =	vmov s26  }
0xa6: {  	v19 =	vshrl.u32 v19, $0x3  }
0xa7: {  	v19 =	vshll.u32 v19, v1  }
0xa8: {  	v19 =	vbroadcast v19, $0x0  }
0xa9: {  	[tilespmem:v18+s15+$0x0] =	vst.idx.msk $0xffff, v17  }
0xaa: {  	v18 =	vadd.s32 v3, v19;
	v17 =	vld [tilespmem:s23+$0xFFFFFF20];
	_ =	sdelay $0x4  }
0xab: {  	[tilespmem:v18+s15+$0x0] =	vst.idx.msk $0xffff, v17  }
0xac: {  	s26 =	sadd.s32 $0xFFFFFFF3, s24;
	v18 =	vadd.s32 v4, v19;
	v17 =	vld [tilespmem:s23+$0xFFFFFF30]  }
0xad: {  	v19 =	vmov s26  }
0xae: {  	v19 =	vshrl.u32 v19, $0x3  }
0xaf: {  	v19 =	vshll.u32 v19, v1  }
0xb0: {  	v19 =	vbroadcast v19, $0x0  }
0xb1: {  	[tilespmem:v18+s15+$0x0] =	vst.idx.msk $0xffff, v17  }
0xb2: {  	v18 =	vadd.s32 v5, v19;
	v17 =	vld [tilespmem:s23+$0xFFFFFF40];
	_ =	sdelay $0x4  }
0xb3: {  	[tilespmem:v18+s15+$0x0] =	vst.idx.msk $0xffff, v17  }
0xb4: {  	s26 =	sadd.s32 $0xFFFFFFF4, s24;
	v18 =	vadd.s32 v6, v19;
	v17 =	vld [tilespmem:s23+$0xFFFFFF50]  }
0xb5: {  	v19 =	vmov s26  }
0xb6: {  	v19 =	vshrl.u32 v19, $0x3  }
0xb7: {  	v19 =	vshll.u32 v19, v1  }
0xb8: {  	v19 =	vbroadcast v19, $0x0  }
0xb9: {  	[tilespmem:v18+s15+$0x0] =	vst.idx.msk $0xffff, v17  }
0xba: {  	v18 =	vadd.s32 v7, v19;
	v17 =	vld [tilespmem:s23+$0xFFFFFF60];
	_ =	sdelay $0x4  }
0xbb: {  	[tilespmem:v18+s15+$0x0] =	vst.idx.msk $0xffff, v17  }
0xbc: {  	s26 =	sadd.s32 $0xFFFFFFF5, s24;
	v18 =	vadd.s32 v8, v19;
	v17 =	vld [tilespmem:s23+$0xFFFFFF70]  }
0xbd: {  	v19 =	vmov s26  }
0xbe: {  	v19 =	vshrl.u32 v19, $0x3  }
0xbf: {  	v19 =	vshll.u32 v19, v1  }
0xc0: {  	v19 =	vbroadcast v19, $0x0  }
0xc1: {  	[tilespmem:v18+s15+$0x0] =	vst.idx.msk $0xffff, v17  }
0xc2: {  	v18 =	vadd.s32 v9, v19;
	v17 =	vld [tilespmem:s23+$0xFFFFFF80];
	_ =	sdelay $0x4  }
0xc3: {  	[tilespmem:v18+s15+$0x0] =	vst.idx.msk $0xffff, v17  }
0xc4: {  	s26 =	sadd.s32 $0xFFFFFFF6, s24;
	v18 =	vadd.s32 v10, v19;
	v17 =	vld [tilespmem:s23+$0xFFFFFF90]  }
0xc5: {  	v19 =	vmov s26  }
0xc6: {  	v19 =	vshrl.u32 v19, $0x3  }
0xc7: {  	v19 =	vshll.u32 v19, v1  }
0xc8: {  	v19 =	vbroadcast v19, $0x0  }
0xc9: {  	[tilespmem:v18+s15+$0x0] =	vst.idx.msk $0xffff, v17  }
0xca: {  	v18 =	vadd.s32 v11, v19;
	v17 =	vld [tilespmem:s23+$0xFFFFFFA0];
	_ =	sdelay $0x4  }
0xcb: {  	[tilespmem:v18+s15+$0x0] =	vst.idx.msk $0xffff, v17  }
0xcc: {  	s26 =	sadd.s32 $0xFFFFFFF7, s24;
	v18 =	vadd.s32 v12, v19;
	v17 =	vld [tilespmem:s23+$0xFFFFFFB0]  }
0xcd: {  	v19 =	vmov s26  }
0xce: {  	v19 =	vshrl.u32 v19, $0x3  }
0xcf: {  	v19 =	vshll.u32 v19, v1  }
0xd0: {  	v19 =	vbroadcast v19, $0x0  }
0xd1: {  	[tilespmem:v18+s15+$0x0] =	vst.idx.msk $0xffff, v17  }
0xd2: {  	v18 =	vadd.s32 v13, v19;
	v17 =	vld [tilespmem:s23+$0xFFFFFFC0];
	_ =	sdelay $0x4  }
0xd3: {  	[tilespmem:v18+s15+$0x0] =	vst.idx.msk $0xffff, v17  }
0xd4: {  	s26 =	sadd.s32 $0xFFFFFFF8, s24;
	v18 =	vadd.s32 v14, v19;
	v17 =	vld [tilespmem:s23+$0xFFFFFFD0]  }
0xd5: {  	v19 =	vmov s26  }
0xd6: {  	v19 =	vshrl.u32 v19, $0x3  }
0xd7: {  	v19 =	vshll.u32 v19, v1  }
0xd8: {  	v19 =	vbroadcast v19, $0x0  }
0xd9: {  	[tilespmem:v18+s15+$0x0] =	vst.idx.msk $0xffff, v17  }
0xda: {  	v18 =	vadd.s32 v15, v19;
	v17 =	vld [tilespmem:s23+$0xFFFFFFE0];
	_ =	sdelay $0x4  }
0xdb: {  	[tilespmem:v18+s15+$0x0] =	vst.idx.msk $0xffff, v17  }
0xdc: {  	s26 =	sadd.s32 $0xFFFFFFF9, s24;
	v18 =	vadd.s32 v16, v19;
	v17 =	vld [tilespmem:s23+$0xFFFFFFF0]  }
0xdd: {  	v19 =	vmov s26  }
0xde: {  	v19 =	vshrl.u32 v19, $0x3  }
0xdf: {  	v19 =	vshll.u32 v19, v1  }
0xe0: {  	v19 =	vbroadcast v19, $0x0  }
0xe1: {  	[tilespmem:v18+s15+$0x0] =	vst.idx.msk $0xffff, v17  }
0xe2: {  	v18 =	vadd.s32 v0, v19;
	v17 =	vld [tilespmem:s23+$0x0];
	_ =	sdelay $0x4  }
0xe3: {  	[tilespmem:v18+s15+$0x0] =	vst.idx.msk $0xffff, v17  }
0xe4: {  	s26 =	sadd.s32 $0xFFFFFFFA, s24;
	v18 =	vadd.s32 v2, v19;
	v17 =	vld [tilespmem:s23+$0x10]  }
0xe5: {  	v19 =	vmov s26  }
0xe6: {  	v19 =	vshrl.u32 v19, $0x3  }
0xe7: {  	v19 =	vshll.u32 v19, v1  }
0xe8: {  	v19 =	vbroadcast v19, $0x0  }
0xe9: {  	[tilespmem:v18+s15+$0x0] =	vst.idx.msk $0xffff, v17  }
0xea: {  	v18 =	vadd.s32 v3, v19;
	v17 =	vld [tilespmem:s23+$0x20];
	_ =	sdelay $0x4  }
0xeb: {  	[tilespmem:v18+s15+$0x0] =	vst.idx.msk $0xffff, v17  }
0xec: {  	s26 =	sadd.s32 $0xFFFFFFFB, s24;
	v18 =	vadd.s32 v4, v19;
	v17 =	vld [tilespmem:s23+$0x30]  }
0xed: {  	v19 =	vmov s26  }
0xee: {  	v19 =	vshrl.u32 v19, $0x3  }
0xef: {  	v19 =	vshll.u32 v19, v1  }
0xf0: {  	v19 =	vbroadcast v19, $0x0  }
0xf1: {  	[tilespmem:v18+s15+$0x0] =	vst.idx.msk $0xffff, v17  }
0xf2: {  	v18 =	vadd.s32 v5, v19;
	v17 =	vld [tilespmem:s23+$0x40];
	_ =	sdelay $0x4  }
0xf3: {  	[tilespmem:v18+s15+$0x0] =	vst.idx.msk $0xffff, v17  }
0xf4: {  	s26 =	sadd.s32 $0xFFFFFFFC, s24;
	v18 =	vadd.s32 v6, v19;
	v17 =	vld [tilespmem:s23+$0x50]  }
0xf5: {  	v19 =	vmov s26  }
0xf6: {  	v19 =	vshrl.u32 v19, $0x3  }
0xf7: {  	v19 =	vshll.u32 v19, v1  }
0xf8: {  	v19 =	vbroadcast v19, $0x0  }
0xf9: {  	[tilespmem:v18+s15+$0x0] =	vst.idx.msk $0xffff, v17  }
0xfa: {  	v18 =	vadd.s32 v7, v19;
	v17 =	vld [tilespmem:s23+$0x60];
	_ =	sdelay $0x4  }
0xfb: {  	[tilespmem:v18+s15+$0x0] =	vst.idx.msk $0xffff, v17  }
0xfc: {  	s26 =	sadd.s32 $0xFFFFFFFD, s24;
	v18 =	vadd.s32 v8, v19;
	v17 =	vld [tilespmem:s23+$0x70]  }
0xfd: {  	v19 =	vmov s26  }
0xfe: {  	v19 =	vshrl.u32 v19, $0x3  }
0xff: {  	v19 =	vshll.u32 v19, v1  }
0x100: {  	v19 =	vbroadcast v19, $0x0  }
0x101: {  	[tilespmem:v18+s15+$0x0] =	vst.idx.msk $0xffff, v17  }
0x102: {  	v18 =	vadd.s32 v9, v19;
	v17 =	vld [tilespmem:s23+$0x80];
	_ =	sdelay $0x4  }
0x103: {  	[tilespmem:v18+s15+$0x0] =	vst.idx.msk $0xffff, v17  }
0x104: {  	s26 =	sadd.s32 $0xFFFFFFFE, s24;
	v18 =	vadd.s32 v10, v19;
	v17 =	vld [tilespmem:s23+$0x90]  }
0x105: {  	v19 =	vmov s26  }
0x106: {  	v19 =	vshrl.u32 v19, $0x3  }
0x107: {  	v19 =	vshll.u32 v19, v1  }
0x108: {  	v19 =	vbroadcast v19, $0x0  }
0x109: {  	[tilespmem:v18+s15+$0x0] =	vst.idx.msk $0xffff, v17  }
0x10a: {  	v18 =	vadd.s32 v11, v19;
	v17 =	vld [tilespmem:s23+$0xA0];
	_ =	sdelay $0x4  }
0x10b: {  	[tilespmem:v18+s15+$0x0] =	vst.idx.msk $0xffff, v17  }
0x10c: {  	s26 =	sadd.s32 $0xFFFFFFFF, s24;
	v18 =	vadd.s32 v12, v19;
	v17 =	vld [tilespmem:s23+$0xB0]  }
0x10d: {  	v19 =	vmov s26  }
0x10e: {  	v19 =	vshrl.u32 v19, $0x3  }
0x10f: {  	v19 =	vshll.u32 v19, v1  }
0x110: {  	v19 =	vbroadcast v19, $0x0  }
0x111: {  	[tilespmem:v18+s15+$0x0] =	vst.idx.msk $0xffff, v17  }
0x112: {  	v18 =	vadd.s32 v13, v19;
	v17 =	vld [tilespmem:s23+$0xC0];
	_ =	sdelay $0x4  }
0x113: {  	[tilespmem:v18+s15+$0x0] =	vst.idx.msk $0xffff, v17  }
0x114: {  	v18 =	vadd.s32 v14, v19;
	v17 =	vld [tilespmem:s23+$0xD0]  }
0x115: {  	v19 =	vmov s24;
	s24 =	smov.u32 s25  }
0x116: {  	v19 =	vshrl.u32 v19, $0x3  }
0x117: {  	v19 =	vshll.u32 v19, v1  }
0x118: {  	v19 =	vbroadcast v19, $0x0  }
0x119: {  	[tilespmem:v18+s15+$0x0] =	vst.idx.msk $0xffff, v17  }
0x11a: {  	v18 =	vadd.s32 v15, v19;
	v17 =	vld [tilespmem:s23+$0xE0];
	_ =	sdelay $0x1  }
.Ltmp2:
0x11b: {  	(pc) =	sbr.rel @p1 .LBB2_3-.Ltmp2, $3  }
0x11c: {  	_ =	sdelay $0x1  }
0x11d: {  	[tilespmem:v18+s15+$0x0] =	vst.idx.msk $0xffff, v17  }
0x11e: {  	s25 =	sadd.s32 $0x10, s25;
	s26 =	sadd.s32 $0xFFFFFFF1, s24;
	v18 =	vadd.s32 v16, v19;
	v17 =	vld [tilespmem:s23+$0xF0]  }
0x11f: {  	v19 =	vmov s26  }
0x120: {  	v19 =	vshrl.u32 v19, $0x3  }
0x121: {  	v19 =	vshll.u32 v19, v1  }
0x122: {  	v19 =	vbroadcast v19, $0x0  }
0x123: {  	s23 =	sadd.s32 $0x200, s23;
	[tilespmem:v18+s15+$0x0] =	vst.idx.msk $0xffff, v17  }
0x124: {  	v17 =	vld [tilespmem:s23+$0xFFFFFF00];
	v18 =	vadd.s32 v0, v19;
	_ =	sdelay $0x4  }
0x125: {  	[tilespmem:v18+s15+$0x0] =	vst.idx.msk $0xffff, v17  }
0x126: {  	s25 =	sadd.s32 $0xFFFFFFF2, s24;
	v18 =	vadd.s32 v2, v19;
	v17 =	vld [tilespmem:s23+$0xFFFFFF10]  }
0x127: {  	v19 =	vmov s25  }
0x128: {  	v19 =	vshrl.u32 v19, $0x3  }
0x129: {  	v19 =	vshll.u32 v19, v1  }
0x12a: {  	v19 =	vbroadcast v19, $0x0  }
0x12b: {  	[tilespmem:v18+s15+$0x0] =	vst.idx.msk $0xffff, v17  }
0x12c: {  	v18 =	vadd.s32 v3, v19;
	v17 =	vld [tilespmem:s23+$0xFFFFFF20];
	_ =	sdelay $0x4  }
0x12d: {  	[tilespmem:v18+s15+$0x0] =	vst.idx.msk $0xffff, v17  }
0x12e: {  	s30 =	sadd.s32 $0xFFFFFFF3, s24;
	v18 =	vadd.s32 v4, v19;
	v17 =	vld [tilespmem:s23+$0xFFFFFF30]  }
0x12f: {  	v19 =	vmov s30  }
0x130: {  	v19 =	vshrl.u32 v19, $0x3  }
0x131: {  	v19 =	vshll.u32 v19, v1  }
0x132: {  	v19 =	vbroadcast v19, $0x0  }
0x133: {  	[tilespmem:v18+s15+$0x0] =	vst.idx.msk $0xffff, v17  }
0x134: {  	v18 =	vadd.s32 v5, v19;
	v17 =	vld [tilespmem:s23+$0xFFFFFF40];
	_ =	sdelay $0x4  }
0x135: {  	[tilespmem:v18+s15+$0x0] =	vst.idx.msk $0xffff, v17  }
0x136: {  	s31 =	sadd.s32 $0xFFFFFFF4, s24;
	v18 =	vadd.s32 v6, v19;
	v17 =	vld [tilespmem:s23+$0xFFFFFF50]  }
0x137: {  	v19 =	vmov s31  }
0x138: {  	v19 =	vshrl.u32 v19, $0x3  }
0x139: {  	v19 =	vshll.u32 v19, v1  }
0x13a: {  	v19 =	vbroadcast v19, $0x0  }
0x13b: {  	[tilespmem:v18+s15+$0x0] =	vst.idx.msk $0xffff, v17  }
0x13c: {  	v18 =	vadd.s32 v7, v19;
	v17 =	vld [tilespmem:s23+$0xFFFFFF60];
	_ =	sdelay $0x4  }
0x13d: {  	[tilespmem:v18+s15+$0x0] =	vst.idx.msk $0xffff, v17  }
0x13e: {  	s26 =	sadd.s32 $0xFFFFFFF5, s24;
	v18 =	vadd.s32 v8, v19;
	v17 =	vld [tilespmem:s23+$0xFFFFFF70]  }
0x13f: {  	v19 =	vmov s26  }
0x140: {  	v19 =	vshrl.u32 v19, $0x3  }
0x141: {  	v19 =	vshll.u32 v19, v1  }
0x142: {  	v19 =	vbroadcast v19, $0x0  }
0x143: {  	[tilespmem:v18+s15+$0x0] =	vst.idx.msk $0xffff, v17  }
0x144: {  	v18 =	vadd.s32 v9, v19;
	v17 =	vld [tilespmem:s23+$0xFFFFFF80];
	_ =	sdelay $0x4  }
0x145: {  	[tilespmem:v18+s15+$0x0] =	vst.idx.msk $0xffff, v17  }
0x146: {  	s30 =	sadd.s32 $0xFFFFFFF6, s24;
	v18 =	vadd.s32 v10, v19;
	v17 =	vld [tilespmem:s23+$0xFFFFFF90]  }
0x147: {  	v19 =	vmov s30  }
0x148: {  	v19 =	vshrl.u32 v19, $0x3  }
0x149: {  	v19 =	vshll.u32 v19, v1  }
0x14a: {  	v19 =	vbroadcast v19, $0x0  }
0x14b: {  	[tilespmem:v18+s15+$0x0] =	vst.idx.msk $0xffff, v17  }
0x14c: {  	v18 =	vadd.s32 v11, v19;
	v17 =	vld [tilespmem:s23+$0xFFFFFFA0];
	_ =	sdelay $0x4  }
0x14d: {  	[tilespmem:v18+s15+$0x0] =	vst.idx.msk $0xffff, v17  }
0x14e: {  	s31 =	sadd.s32 $0xFFFFFFF7, s24;
	v18 =	vadd.s32 v12, v19;
	v17 =	vld [tilespmem:s23+$0xFFFFFFB0]  }
0x14f: {  	v19 =	vmov s31  }
0x150: {  	v19 =	vshrl.u32 v19, $0x3  }
0x151: {  	v19 =	vshll.u32 v19, v1  }
0x152: {  	v19 =	vbroadcast v19, $0x0  }
0x153: {  	[tilespmem:v18+s15+$0x0] =	vst.idx.msk $0xffff, v17  }
0x154: {  	v18 =	vadd.s32 v13, v19;
	v17 =	vld [tilespmem:s23+$0xFFFFFFC0];
	_ =	sdelay $0x4  }
0x155: {  	[tilespmem:v18+s15+$0x0] =	vst.idx.msk $0xffff, v17  }
0x156: {  	s26 =	sadd.s32 $0xFFFFFFF8, s24;
	v18 =	vadd.s32 v14, v19;
	v17 =	vld [tilespmem:s23+$0xFFFFFFD0]  }
0x157: {  	v19 =	vmov s26  }
0x158: {  	v19 =	vshrl.u32 v19, $0x3  }
0x159: {  	v19 =	vshll.u32 v19, v1  }
0x15a: {  	v19 =	vbroadcast v19, $0x0  }
0x15b: {  	[tilespmem:v18+s15+$0x0] =	vst.idx.msk $0xffff, v17  }
0x15c: {  	v18 =	vadd.s32 v15, v19;
	v17 =	vld [tilespmem:s23+$0xFFFFFFE0];
	_ =	sdelay $0x4  }
0x15d: {  	[tilespmem:v18+s15+$0x0] =	vst.idx.msk $0xffff, v17  }
0x15e: {  	s30 =	sadd.s32 $0xFFFFFFF9, s24;
	v18 =	vadd.s32 v16, v19;
	v17 =	vld [tilespmem:s23+$0xFFFFFFF0]  }
0x15f: {  	v19 =	vmov s30  }
0x160: {  	v19 =	vshrl.u32 v19, $0x3  }
0x161: {  	v19 =	vshll.u32 v19, v1  }
0x162: {  	v19 =	vbroadcast v19, $0x0  }
0x163: {  	[tilespmem:v18+s15+$0x0] =	vst.idx.msk $0xffff, v17  }
0x164: {  	v18 =	vadd.s32 v0, v19;
	v17 =	vld [tilespmem:s23+$0x0];
	_ =	sdelay $0x4  }
0x165: {  	[tilespmem:v18+s15+$0x0] =	vst.idx.msk $0xffff, v17  }
0x166: {  	s31 =	sadd.s32 $0xFFFFFFFA, s24;
	v18 =	vadd.s32 v2, v19;
	v17 =	vld [tilespmem:s23+$0x10]  }
0x167: {  	v19 =	vmov s31  }
0x168: {  	v19 =	vshrl.u32 v19, $0x3  }
0x169: {  	v19 =	vshll.u32 v19, v1  }
0x16a: {  	v19 =	vbroadcast v19, $0x0  }
0x16b: {  	[tilespmem:v18+s15+$0x0] =	vst.idx.msk $0xffff, v17  }
0x16c: {  	v18 =	vadd.s32 v3, v19;
	v17 =	vld [tilespmem:s23+$0x20];
	_ =	sdelay $0x4  }
0x16d: {  	[tilespmem:v18+s15+$0x0] =	vst.idx.msk $0xffff, v17  }
0x16e: {  	s26 =	sadd.s32 $0xFFFFFFFB, s24;
	v18 =	vadd.s32 v4, v19;
	v17 =	vld [tilespmem:s23+$0x30]  }
0x16f: {  	v19 =	vmov s26  }
0x170: {  	v19 =	vshrl.u32 v19, $0x3  }
0x171: {  	v19 =	vshll.u32 v19, v1  }
0x172: {  	v19 =	vbroadcast v19, $0x0  }
0x173: {  	[tilespmem:v18+s15+$0x0] =	vst.idx.msk $0xffff, v17  }
0x174: {  	v18 =	vadd.s32 v5, v19;
	v17 =	vld [tilespmem:s23+$0x40];
	_ =	sdelay $0x4  }
0x175: {  	[tilespmem:v18+s15+$0x0] =	vst.idx.msk $0xffff, v17  }
0x176: {  	s30 =	sadd.s32 $0xFFFFFFFC, s24;
	v18 =	vadd.s32 v6, v19;
	v17 =	vld [tilespmem:s23+$0x50]  }
0x177: {  	v19 =	vmov s30  }
0x178: {  	v19 =	vshrl.u32 v19, $0x3  }
0x179: {  	v19 =	vshll.u32 v19, v1  }
0x17a: {  	v19 =	vbroadcast v19, $0x0  }
0x17b: {  	[tilespmem:v18+s15+$0x0] =	vst.idx.msk $0xffff, v17  }
0x17c: {  	v18 =	vadd.s32 v7, v19;
	v17 =	vld [tilespmem:s23+$0x60];
	_ =	sdelay $0x4  }
0x17d: {  	[tilespmem:v18+s15+$0x0] =	vst.idx.msk $0xffff, v17  }
0x17e: {  	s31 =	sadd.s32 $0xFFFFFFFD, s24;
	v18 =	vadd.s32 v8, v19;
	v17 =	vld [tilespmem:s23+$0x70]  }
0x17f: {  	v19 =	vmov s31  }
0x180: {  	v19 =	vshrl.u32 v19, $0x3  }
0x181: {  	v19 =	vshll.u32 v19, v1  }
0x182: {  	v19 =	vbroadcast v19, $0x0  }
0x183: {  	[tilespmem:v18+s15+$0x0] =	vst.idx.msk $0xffff, v17  }
0x184: {  	v18 =	vadd.s32 v9, v19;
	v17 =	vld [tilespmem:s23+$0x80];
	_ =	sdelay $0x4  }
0x185: {  	[tilespmem:v18+s15+$0x0] =	vst.idx.msk $0xffff, v17  }
0x186: {  	s26 =	sadd.s32 $0xFFFFFFFE, s24;
	v18 =	vadd.s32 v10, v19;
	v17 =	vld [tilespmem:s23+$0x90]  }
0x187: {  	v19 =	vmov s26  }
0x188: {  	v19 =	vshrl.u32 v19, $0x3  }
0x189: {  	v19 =	vshll.u32 v19, v1  }
0x18a: {  	v19 =	vbroadcast v19, $0x0  }
0x18b: {  	[tilespmem:v18+s15+$0x0] =	vst.idx.msk $0xffff, v17  }
0x18c: {  	v18 =	vadd.s32 v11, v19;
	v17 =	vld [tilespmem:s23+$0xA0];
	_ =	sdelay $0x4  }
0x18d: {  	[tilespmem:v18+s15+$0x0] =	vst.idx.msk $0xffff, v17  }
0x18e: {  	s30 =	sadd.s32 $0xFFFFFFFF, s24;
	v18 =	vadd.s32 v12, v19;
	v17 =	vld [tilespmem:s23+$0xB0]  }
0x18f: {  	v19 =	vmov s30  }
0x190: {  	v19 =	vshrl.u32 v19, $0x3  }
0x191: {  	v19 =	vshll.u32 v19, v1  }
0x192: {  	v19 =	vbroadcast v19, $0x0  }
0x193: {  	[tilespmem:v18+s15+$0x0] =	vst.idx.msk $0xffff, v17  }
0x194: {  	v18 =	vadd.s32 v13, v19;
	v17 =	vld [tilespmem:s23+$0xC0];
	_ =	sdelay $0x4  }
0x195: {  	[tilespmem:v18+s15+$0x0] =	vst.idx.msk $0xffff, v17  }
0x196: {  	v18 =	vadd.s32 v14, v19;
	v17 =	vld [tilespmem:s23+$0xD0]  }
0x197: {  	v19 =	vmov s24  }
0x198: {  	v19 =	vshrl.u32 v19, $0x3  }
0x199: {  	v19 =	vshll.u32 v19, v1  }
0x19a: {  	v19 =	vbroadcast v19, $0x0  }
0x19b: {  	[tilespmem:v18+s15+$0x0] =	vst.idx.msk $0xffff, v17  }
0x19c: {  	v18 =	vadd.s32 v15, v19;
	v17 =	vld [tilespmem:s23+$0xE0];
	_ =	sdelay $0x4  }
0x19d: {  	[tilespmem:v18+s15+$0x0] =	vst.idx.msk $0xffff, v17  }
0x19e: {  	v18 =	vadd.s32 v16, v19;
	v17 =	vld [tilespmem:s23+$0xF0]  }
0x19f: {  	s31 =	sshll.u32 s21, $0x14  }
0x1a0: {  	s23 =	sor.u32 s4, s31  }
0x1a1: {  	s23 =	sshrl.u32 s23, $0x3  }
0x1a2: {  	s28 =	simm.s32 $0xE608;
	s24 =	sadd.s32 s5, s23  }
0x1a3: {  	s25 =	simm.s32 $0xE400;
	s26 =	simm.s32 $0x800;
	s29 =	sadd.s32 $0x0, s24;
	[tilespmem:v18+s15+$0x0] =	vst.idx.msk $0xffff, v17  }
.LBB2_5:
0x1a4: {  	[hbm4b:s29+s2] =	stream.linear.scatter [tilespmem:s25], [sflag:$0x3], $0x200, $0x38;
	[tilespmem:$0x16600] =	vst v63  }
0x1a5: {  	s29 =	smov.u32 s26;
	s25 =	smov.u32 s28;
	p1 =	sne.s32 s26, $0xF800  }
.Ltmp3:
0x1a6: {  	s26 =	sadd.s32 $0x800, s26;
	(pc) =	sbr.rel @p1 .LBB2_5-.Ltmp3, $2  }
0x1a7: {  	_ =	sdelay $0x2  }
0x1a8: {  	s28 =	sadd.s32 $0x208, s28;
	s29 =	sadd.s32 s29, s24  }
0x1a9: {  	p1 =	sne.s32 s21, $0x18  }
.Ltmp4:
0x1aa: {  	_ = 	snop;
	(pc) =	sbr.rel @p1 .LBB2_8-.Ltmp4, $2  }
0x1ab: {  	_ =	sdelay $0x2  }
0x1ac: {  	[hbm4b:s29+s2] =	stream.linear.scatter [tilespmem:s25], [sflag:$0x3], $0x200, $0x38;
	[tilespmem:$0x16600] =	vst v63  }
.Ltmp5:
0x1ad: {  	(pc) =	sbr.rel .LBB2_9-.Ltmp5, $4  }
0x1ae: {  	_ = 	snop  }
0x1af: {  	_ =	swait.ge [sflag:s16], $0x4000  }
0x1b0: {  	[sflag:s16] =	ssyncset.done $0x0  }
0x1b1: {  	[sflag:s16] =	ssyncadd.s32 $0xFFFFC000  }
.LBB2_8:
0x1b2: {  	s24 =	sshrl.u32 s22, $0x2  }
.Ltmp6:
0x1b3: {  	s24 =	sadd.s32 $0x400, s24;
	(pc) =	sbr.rel @p0 .LBB2_10-.Ltmp6, $4  }
0x1b4: {  	[tilespmem:s12], [sflag:$0x1] =	stream.indirect.gather [hbm4b:s3+s9], $0x20, s24, s9, $0xb8;
	[tilespmem:$0x16600] =	vst v63  }
0x1b5: {  	_ =	swait.ge [sflag:s16], $0x4000  }
0x1b6: {  	[sflag:s16] =	ssyncset.done $0x0  }
0x1b7: {  	[sflag:s16] =	ssyncadd.s32 $0xFFFFC000  }
.LBB2_9:
0x1b8: {  	_ =	swait.ge [sflag:s17], $0x4000  }
0x1b9: {  	[sflag:s17] =	ssyncset.done $0x0  }
0x1ba: {  	[sflag:s17] =	ssyncadd.s32 $0xFFFFC000  }
.LBB2_10:
0x1bb: {  	s24 =	simm.s32 $0x0  }
0x1bc: {  	v17 =	vmov s24  }
0x1bd: {  	v17 =	vshrl.u32 v17, $0x3  }
0x1be: {  	v17 =	vshll.u32 v17, v1  }
0x1bf: {  	v17 =	vbroadcast v17, $0x0  }
0x1c0: {  	s24 =	simm.s32 $0xA500  }
0x1c1: {  	v18 =	vld [tilespmem:s24+$0xFFFFFF00];
	v19 =	vadd.s32 v0, v17;
	_ =	sdelay $0x4  }
0x1c2: {  	[tilespmem:v19+s18+$0x0] =	vst.idx.msk $0xffff, v18  }
0x1c3: {  	s25 =	simm.s32 $0x1;
	v17 =	vadd.s32 v2, v17;
	v18 =	vld [tilespmem:s24+$0xFFFFFF10]  }
0x1c4: {  	v19 =	vmov s25  }
0x1c5: {  	v19 =	vshrl.u32 v19, $0x3  }
0x1c6: {  	v19 =	vshll.u32 v19, v1  }
0x1c7: {  	v19 =	vbroadcast v19, $0x0  }
0x1c8: {  	[tilespmem:v17+s18+$0x0] =	vst.idx.msk $0xffff, v18  }
0x1c9: {  	v18 =	vadd.s32 v3, v19;
	v17 =	vld [tilespmem:s24+$0xFFFFFF20];
	_ =	sdelay $0x4  }
0x1ca: {  	[tilespmem:v18+s18+$0x0] =	vst.idx.msk $0xffff, v17  }
0x1cb: {  	s30 =	simm.s32 $0x2;
	v18 =	vadd.s32 v4, v19;
	v17 =	vld [tilespmem:s24+$0xFFFFFF30]  }
0x1cc: {  	v19 =	vmov s30  }
0x1cd: {  	v19 =	vshrl.u32 v19, $0x3  }
0x1ce: {  	v19 =	vshll.u32 v19, v1  }
0x1cf: {  	v19 =	vbroadcast v19, $0x0  }
0x1d0: {  	[tilespmem:v18+s18+$0x0] =	vst.idx.msk $0xffff, v17  }
0x1d1: {  	v18 =	vadd.s32 v5, v19;
	v17 =	vld [tilespmem:s24+$0xFFFFFF40];
	_ =	sdelay $0x4  }
0x1d2: {  	[tilespmem:v18+s18+$0x0] =	vst.idx.msk $0xffff, v17  }
0x1d3: {  	s31 =	simm.s32 $0x3;
	v18 =	vadd.s32 v6, v19;
	v17 =	vld [tilespmem:s24+$0xFFFFFF50]  }
0x1d4: {  	v19 =	vmov s31  }
0x1d5: {  	v19 =	vshrl.u32 v19, $0x3  }
0x1d6: {  	v19 =	vshll.u32 v19, v1  }
0x1d7: {  	v19 =	vbroadcast v19, $0x0  }
0x1d8: {  	[tilespmem:v18+s18+$0x0] =	vst.idx.msk $0xffff, v17  }
0x1d9: {  	v18 =	vadd.s32 v7, v19;
	v17 =	vld [tilespmem:s24+$0xFFFFFF60];
	_ =	sdelay $0x4  }
0x1da: {  	[tilespmem:v18+s18+$0x0] =	vst.idx.msk $0xffff, v17  }
0x1db: {  	s26 =	simm.s32 $0x4;
	v18 =	vadd.s32 v8, v19;
	v17 =	vld [tilespmem:s24+$0xFFFFFF70]  }
0x1dc: {  	v19 =	vmov s26  }
0x1dd: {  	v19 =	vshrl.u32 v19, $0x3  }
0x1de: {  	v19 =	vshll.u32 v19, v1  }
0x1df: {  	v19 =	vbroadcast v19, $0x0  }
0x1e0: {  	[tilespmem:v18+s18+$0x0] =	vst.idx.msk $0xffff, v17  }
0x1e1: {  	v18 =	vadd.s32 v9, v19;
	v17 =	vld [tilespmem:s24+$0xFFFFFF80];
	_ =	sdelay $0x4  }
0x1e2: {  	[tilespmem:v18+s18+$0x0] =	vst.idx.msk $0xffff, v17  }
0x1e3: {  	s29 =	simm.s32 $0x5;
	v18 =	vadd.s32 v10, v19;
	v17 =	vld [tilespmem:s24+$0xFFFFFF90]  }
0x1e4: {  	v19 =	vmov s29  }
0x1e5: {  	v19 =	vshrl.u32 v19, $0x3  }
0x1e6: {  	v19 =	vshll.u32 v19, v1  }
0x1e7: {  	v19 =	vbroadcast v19, $0x0  }
0x1e8: {  	[tilespmem:v18+s18+$0x0] =	vst.idx.msk $0xffff, v17  }
0x1e9: {  	v18 =	vadd.s32 v11, v19;
	v17 =	vld [tilespmem:s24+$0xFFFFFFA0];
	_ =	sdelay $0x4  }
0x1ea: {  	[tilespmem:v18+s18+$0x0] =	vst.idx.msk $0xffff, v17  }
0x1eb: {  	s30 =	simm.s32 $0x6;
	v18 =	vadd.s32 v12, v19;
	v17 =	vld [tilespmem:s24+$0xFFFFFFB0]  }
0x1ec: {  	v19 =	vmov s30  }
0x1ed: {  	v19 =	vshrl.u32 v19, $0x3  }
0x1ee: {  	v19 =	vshll.u32 v19, v1  }
0x1ef: {  	v19 =	vbroadcast v19, $0x0  }
0x1f0: {  	[tilespmem:v18+s18+$0x0] =	vst.idx.msk $0xffff, v17  }
0x1f1: {  	v18 =	vadd.s32 v13, v19;
	v17 =	vld [tilespmem:s24+$0xFFFFFFC0];
	_ =	sdelay $0x4  }
0x1f2: {  	[tilespmem:v18+s18+$0x0] =	vst.idx.msk $0xffff, v17  }
0x1f3: {  	s31 =	simm.s32 $0x7;
	v18 =	vadd.s32 v14, v19;
	v17 =	vld [tilespmem:s24+$0xFFFFFFD0]  }
0x1f4: {  	v19 =	vmov s31  }
0x1f5: {  	v19 =	vshrl.u32 v19, $0x3  }
0x1f6: {  	v19 =	vshll.u32 v19, v1  }
0x1f7: {  	v19 =	vbroadcast v19, $0x0  }
0x1f8: {  	[tilespmem:v18+s18+$0x0] =	vst.idx.msk $0xffff, v17  }
0x1f9: {  	v18 =	vadd.s32 v15, v19;
	v17 =	vld [tilespmem:s24+$0xFFFFFFE0];
	_ =	sdelay $0x4  }
0x1fa: {  	[tilespmem:v18+s18+$0x0] =	vst.idx.msk $0xffff, v17  }
0x1fb: {  	s26 =	simm.s32 $0x8;
	v18 =	vadd.s32 v16, v19;
	v17 =	vld [tilespmem:s24+$0xFFFFFFF0]  }
0x1fc: {  	v19 =	vmov s26  }
0x1fd: {  	v19 =	vshrl.u32 v19, $0x3  }
0x1fe: {  	v19 =	vshll.u32 v19, v1  }
0x1ff: {  	v19 =	vbroadcast v19, $0x0  }
0x200: {  	[tilespmem:v18+s18+$0x0] =	vst.idx.msk $0xffff, v17  }
0x201: {  	v18 =	vadd.s32 v0, v19;
	v17 =	vld [tilespmem:s24+$0x0];
	_ =	sdelay $0x4  }
0x202: {  	[tilespmem:v18+s18+$0x0] =	vst.idx.msk $0xffff, v17  }
0x203: {  	s29 =	simm.s32 $0x9;
	v18 =	vadd.s32 v2, v19;
	v17 =	vld [tilespmem:s24+$0x10]  }
0x204: {  	v19 =	vmov s29  }
0x205: {  	v19 =	vshrl.u32 v19, $0x3  }
0x206: {  	v19 =	vshll.u32 v19, v1  }
0x207: {  	v19 =	vbroadcast v19, $0x0  }
0x208: {  	[tilespmem:v18+s18+$0x0] =	vst.idx.msk $0xffff, v17  }
0x209: {  	v18 =	vadd.s32 v3, v19;
	v17 =	vld [tilespmem:s24+$0x20];
	_ =	sdelay $0x4  }
0x20a: {  	[tilespmem:v18+s18+$0x0] =	vst.idx.msk $0xffff, v17  }
0x20b: {  	s30 =	simm.s32 $0xA;
	v18 =	vadd.s32 v4, v19;
	v17 =	vld [tilespmem:s24+$0x30]  }
0x20c: {  	v19 =	vmov s30  }
0x20d: {  	v19 =	vshrl.u32 v19, $0x3  }
0x20e: {  	v19 =	vshll.u32 v19, v1  }
0x20f: {  	v19 =	vbroadcast v19, $0x0  }
0x210: {  	[tilespmem:v18+s18+$0x0] =	vst.idx.msk $0xffff, v17  }
0x211: {  	v18 =	vadd.s32 v5, v19;
	v17 =	vld [tilespmem:s24+$0x40];
	_ =	sdelay $0x4  }
0x212: {  	[tilespmem:v18+s18+$0x0] =	vst.idx.msk $0xffff, v17  }
0x213: {  	s31 =	simm.s32 $0xB;
	v18 =	vadd.s32 v6, v19;
	v17 =	vld [tilespmem:s24+$0x50]  }
0x214: {  	v19 =	vmov s31  }
0x215: {  	v19 =	vshrl.u32 v19, $0x3  }
0x216: {  	v19 =	vshll.u32 v19, v1  }
0x217: {  	v19 =	vbroadcast v19, $0x0  }
0x218: {  	[tilespmem:v18+s18+$0x0] =	vst.idx.msk $0xffff, v17  }
0x219: {  	v18 =	vadd.s32 v7, v19;
	v17 =	vld [tilespmem:s24+$0x60];
	_ =	sdelay $0x4  }
0x21a: {  	[tilespmem:v18+s18+$0x0] =	vst.idx.msk $0xffff, v17  }
0x21b: {  	s26 =	simm.s32 $0xC;
	v18 =	vadd.s32 v8, v19;
	v17 =	vld [tilespmem:s24+$0x70]  }
0x21c: {  	v19 =	vmov s26  }
0x21d: {  	v19 =	vshrl.u32 v19, $0x3  }
0x21e: {  	v19 =	vshll.u32 v19, v1  }
0x21f: {  	v19 =	vbroadcast v19, $0x0  }
0x220: {  	[tilespmem:v18+s18+$0x0] =	vst.idx.msk $0xffff, v17  }
0x221: {  	v18 =	vadd.s32 v9, v19;
	v17 =	vld [tilespmem:s24+$0x80];
	_ =	sdelay $0x4  }
0x222: {  	[tilespmem:v18+s18+$0x0] =	vst.idx.msk $0xffff, v17  }
0x223: {  	s29 =	simm.s32 $0xD;
	v18 =	vadd.s32 v10, v19;
	v17 =	vld [tilespmem:s24+$0x90]  }
0x224: {  	v19 =	vmov s29  }
0x225: {  	v19 =	vshrl.u32 v19, $0x3  }
0x226: {  	v19 =	vshll.u32 v19, v1  }
0x227: {  	v19 =	vbroadcast v19, $0x0  }
0x228: {  	[tilespmem:v18+s18+$0x0] =	vst.idx.msk $0xffff, v17  }
0x229: {  	v18 =	vadd.s32 v11, v19;
	v17 =	vld [tilespmem:s24+$0xA0];
	_ =	sdelay $0x4  }
0x22a: {  	[tilespmem:v18+s18+$0x0] =	vst.idx.msk $0xffff, v17  }
0x22b: {  	s30 =	simm.s32 $0xE;
	v18 =	vadd.s32 v12, v19;
	v17 =	vld [tilespmem:s24+$0xB0]  }
0x22c: {  	v19 =	vmov s30  }
0x22d: {  	v19 =	vshrl.u32 v19, $0x3  }
0x22e: {  	v19 =	vshll.u32 v19, v1  }
0x22f: {  	v19 =	vbroadcast v19, $0x0  }
0x230: {  	[tilespmem:v18+s18+$0x0] =	vst.idx.msk $0xffff, v17  }
0x231: {  	v18 =	vadd.s32 v13, v19;
	v17 =	vld [tilespmem:s24+$0xC0];
	_ =	sdelay $0x4  }
0x232: {  	[tilespmem:v18+s18+$0x0] =	vst.idx.msk $0xffff, v17  }
0x233: {  	s31 =	simm.s32 $0xF;
	v18 =	vadd.s32 v14, v19;
	v17 =	vld [tilespmem:s24+$0xD0]  }
0x234: {  	v19 =	vmov s31  }
0x235: {  	v19 =	vshrl.u32 v19, $0x3  }
0x236: {  	v19 =	vshll.u32 v19, v1  }
0x237: {  	v19 =	vbroadcast v19, $0x0  }
0x238: {  	[tilespmem:v18+s18+$0x0] =	vst.idx.msk $0xffff, v17  }
0x239: {  	v18 =	vadd.s32 v15, v19;
	v17 =	vld [tilespmem:s24+$0xE0];
	_ =	sdelay $0x4  }
0x23a: {  	[tilespmem:v18+s18+$0x0] =	vst.idx.msk $0xffff, v17  }
0x23b: {  	s28 =	simm.s32 $0x10;
	s25 =	simm.s32 $0x1F;
	s26 =	simm.s32 $0x2F;
	v18 =	vadd.s32 v16, v19;
	v17 =	vld [tilespmem:s24+$0xF0]  }
.LBB2_11:
0x23c: {  	p0 =	sne.s32 s26, $0x1FF;
	v19 =	vmov s28  }
0x23d: {  	v19 =	vshrl.u32 v19, $0x3  }
0x23e: {  	v19 =	vshll.u32 v19, v1  }
0x23f: {  	v19 =	vbroadcast v19, $0x0  }
0x240: {  	s24 =	sadd.s32 $0x200, s24;
	[tilespmem:v18+s18+$0x0] =	vst.idx.msk $0xffff, v17  }
0x241: {  	v17 =	vld [tilespmem:s24+$0xFFFFFF00];
	v18 =	vadd.s32 v0, v19;
	_ =	sdelay $0x4  }
0x242: {  	[tilespmem:v18+s18+$0x0] =	vst.idx.msk $0xffff, v17  }
0x243: {  	s28 =	sadd.s32 $0xFFFFFFF2, s25;
	v18 =	vadd.s32 v2, v19;
	v17 =	vld [tilespmem:s24+$0xFFFFFF10]  }
0x244: {  	v19 =	vmov s28  }
0x245: {  	v19 =	vshrl.u32 v19, $0x3  }
0x246: {  	v19 =	vshll.u32 v19, v1  }
0x247: {  	v19 =	vbroadcast v19, $0x0  }
0x248: {  	[tilespmem:v18+s18+$0x0] =	vst.idx.msk $0xffff, v17  }
0x249: {  	v18 =	vadd.s32 v3, v19;
	v17 =	vld [tilespmem:s24+$0xFFFFFF20];
	_ =	sdelay $0x4  }
0x24a: {  	[tilespmem:v18+s18+$0x0] =	vst.idx.msk $0xffff, v17  }
0x24b: {  	s28 =	sadd.s32 $0xFFFFFFF3, s25;
	v18 =	vadd.s32 v4, v19;
	v17 =	vld [tilespmem:s24+$0xFFFFFF30]  }
0x24c: {  	v19 =	vmov s28  }
0x24d: {  	v19 =	vshrl.u32 v19, $0x3  }
0x24e: {  	v19 =	vshll.u32 v19, v1  }
0x24f: {  	v19 =	vbroadcast v19, $0x0  }
0x250: {  	[tilespmem:v18+s18+$0x0] =	vst.idx.msk $0xffff, v17  }
0x251: {  	v18 =	vadd.s32 v5, v19;
	v17 =	vld [tilespmem:s24+$0xFFFFFF40];
	_ =	sdelay $0x4  }
0x252: {  	[tilespmem:v18+s18+$0x0] =	vst.idx.msk $0xffff, v17  }
0x253: {  	s28 =	sadd.s32 $0xFFFFFFF4, s25;
	v18 =	vadd.s32 v6, v19;
	v17 =	vld [tilespmem:s24+$0xFFFFFF50]  }
0x254: {  	v19 =	vmov s28  }
0x255: {  	v19 =	vshrl.u32 v19, $0x3  }
0x256: {  	v19 =	vshll.u32 v19, v1  }
0x257: {  	v19 =	vbroadcast v19, $0x0  }
0x258: {  	[tilespmem:v18+s18+$0x0] =	vst.idx.msk $0xffff, v17  }
0x259: {  	v18 =	vadd.s32 v7, v19;
	v17 =	vld [tilespmem:s24+$0xFFFFFF60];
	_ =	sdelay $0x4  }
0x25a: {  	[tilespmem:v18+s18+$0x0] =	vst.idx.msk $0xffff, v17  }
0x25b: {  	s28 =	sadd.s32 $0xFFFFFFF5, s25;
	v18 =	vadd.s32 v8, v19;
	v17 =	vld [tilespmem:s24+$0xFFFFFF70]  }
0x25c: {  	v19 =	vmov s28  }
0x25d: {  	v19 =	vshrl.u32 v19, $0x3  }
0x25e: {  	v19 =	vshll.u32 v19, v1  }
0x25f: {  	v19 =	vbroadcast v19, $0x0  }
0x260: {  	[tilespmem:v18+s18+$0x0] =	vst.idx.msk $0xffff, v17  }
0x261: {  	v18 =	vadd.s32 v9, v19;
	v17 =	vld [tilespmem:s24+$0xFFFFFF80];
	_ =	sdelay $0x4  }
0x262: {  	[tilespmem:v18+s18+$0x0] =	vst.idx.msk $0xffff, v17  }
0x263: {  	s28 =	sadd.s32 $0xFFFFFFF6, s25;
	v18 =	vadd.s32 v10, v19;
	v17 =	vld [tilespmem:s24+$0xFFFFFF90]  }
0x264: {  	v19 =	vmov s28  }
0x265: {  	v19 =	vshrl.u32 v19, $0x3  }
0x266: {  	v19 =	vshll.u32 v19, v1  }
0x267: {  	v19 =	vbroadcast v19, $0x0  }
0x268: {  	[tilespmem:v18+s18+$0x0] =	vst.idx.msk $0xffff, v17  }
0x269: {  	v18 =	vadd.s32 v11, v19;
	v17 =	vld [tilespmem:s24+$0xFFFFFFA0];
	_ =	sdelay $0x4  }
0x26a: {  	[tilespmem:v18+s18+$0x0] =	vst.idx.msk $0xffff, v17  }
0x26b: {  	s28 =	sadd.s32 $0xFFFFFFF7, s25;
	v18 =	vadd.s32 v12, v19;
	v17 =	vld [tilespmem:s24+$0xFFFFFFB0]  }
0x26c: {  	v19 =	vmov s28  }
0x26d: {  	v19 =	vshrl.u32 v19, $0x3  }
0x26e: {  	v19 =	vshll.u32 v19, v1  }
0x26f: {  	v19 =	vbroadcast v19, $0x0  }
0x270: {  	[tilespmem:v18+s18+$0x0] =	vst.idx.msk $0xffff, v17  }
0x271: {  	v18 =	vadd.s32 v13, v19;
	v17 =	vld [tilespmem:s24+$0xFFFFFFC0];
	_ =	sdelay $0x4  }
0x272: {  	[tilespmem:v18+s18+$0x0] =	vst.idx.msk $0xffff, v17  }
0x273: {  	s28 =	sadd.s32 $0xFFFFFFF8, s25;
	v18 =	vadd.s32 v14, v19;
	v17 =	vld [tilespmem:s24+$0xFFFFFFD0]  }
0x274: {  	v19 =	vmov s28  }
0x275: {  	v19 =	vshrl.u32 v19, $0x3  }
0x276: {  	v19 =	vshll.u32 v19, v1  }
0x277: {  	v19 =	vbroadcast v19, $0x0  }
0x278: {  	[tilespmem:v18+s18+$0x0] =	vst.idx.msk $0xffff, v17  }
0x279: {  	v18 =	vadd.s32 v15, v19;
	v17 =	vld [tilespmem:s24+$0xFFFFFFE0];
	_ =	sdelay $0x4  }
0x27a: {  	[tilespmem:v18+s18+$0x0] =	vst.idx.msk $0xffff, v17  }
0x27b: {  	s28 =	sadd.s32 $0xFFFFFFF9, s25;
	v18 =	vadd.s32 v16, v19;
	v17 =	vld [tilespmem:s24+$0xFFFFFFF0]  }
0x27c: {  	v19 =	vmov s28  }
0x27d: {  	v19 =	vshrl.u32 v19, $0x3  }
0x27e: {  	v19 =	vshll.u32 v19, v1  }
0x27f: {  	v19 =	vbroadcast v19, $0x0  }
0x280: {  	[tilespmem:v18+s18+$0x0] =	vst.idx.msk $0xffff, v17  }
0x281: {  	v18 =	vadd.s32 v0, v19;
	v17 =	vld [tilespmem:s24+$0x0];
	_ =	sdelay $0x4  }
0x282: {  	[tilespmem:v18+s18+$0x0] =	vst.idx.msk $0xffff, v17  }
0x283: {  	s28 =	sadd.s32 $0xFFFFFFFA, s25;
	v18 =	vadd.s32 v2, v19;
	v17 =	vld [tilespmem:s24+$0x10]  }
0x284: {  	v19 =	vmov s28  }
0x285: {  	v19 =	vshrl.u32 v19, $0x3  }
0x286: {  	v19 =	vshll.u32 v19, v1  }
0x287: {  	v19 =	vbroadcast v19, $0x0  }
0x288: {  	[tilespmem:v18+s18+$0x0] =	vst.idx.msk $0xffff, v17  }
0x289: {  	v18 =	vadd.s32 v3, v19;
	v17 =	vld [tilespmem:s24+$0x20];
	_ =	sdelay $0x4  }
0x28a: {  	[tilespmem:v18+s18+$0x0] =	vst.idx.msk $0xffff, v17  }
0x28b: {  	s28 =	sadd.s32 $0xFFFFFFFB, s25;
	v18 =	vadd.s32 v4, v19;
	v17 =	vld [tilespmem:s24+$0x30]  }
0x28c: {  	v19 =	vmov s28  }
0x28d: {  	v19 =	vshrl.u32 v19, $0x3  }
0x28e: {  	v19 =	vshll.u32 v19, v1  }
0x28f: {  	v19 =	vbroadcast v19, $0x0  }
0x290: {  	[tilespmem:v18+s18+$0x0] =	vst.idx.msk $0xffff, v17  }
0x291: {  	v18 =	vadd.s32 v5, v19;
	v17 =	vld [tilespmem:s24+$0x40];
	_ =	sdelay $0x4  }
0x292: {  	[tilespmem:v18+s18+$0x0] =	vst.idx.msk $0xffff, v17  }
0x293: {  	s28 =	sadd.s32 $0xFFFFFFFC, s25;
	v18 =	vadd.s32 v6, v19;
	v17 =	vld [tilespmem:s24+$0x50]  }
0x294: {  	v19 =	vmov s28  }
0x295: {  	v19 =	vshrl.u32 v19, $0x3  }
0x296: {  	v19 =	vshll.u32 v19, v1  }
0x297: {  	v19 =	vbroadcast v19, $0x0  }
0x298: {  	[tilespmem:v18+s18+$0x0] =	vst.idx.msk $0xffff, v17  }
0x299: {  	v18 =	vadd.s32 v7, v19;
	v17 =	vld [tilespmem:s24+$0x60];
	_ =	sdelay $0x4  }
0x29a: {  	[tilespmem:v18+s18+$0x0] =	vst.idx.msk $0xffff, v17  }
0x29b: {  	s28 =	sadd.s32 $0xFFFFFFFD, s25;
	v18 =	vadd.s32 v8, v19;
	v17 =	vld [tilespmem:s24+$0x70]  }
0x29c: {  	v19 =	vmov s28  }
0x29d: {  	v19 =	vshrl.u32 v19, $0x3  }
0x29e: {  	v19 =	vshll.u32 v19, v1  }
0x29f: {  	v19 =	vbroadcast v19, $0x0  }
0x2a0: {  	[tilespmem:v18+s18+$0x0] =	vst.idx.msk $0xffff, v17  }
0x2a1: {  	v18 =	vadd.s32 v9, v19;
	v17 =	vld [tilespmem:s24+$0x80];
	_ =	sdelay $0x4  }
0x2a2: {  	[tilespmem:v18+s18+$0x0] =	vst.idx.msk $0xffff, v17  }
0x2a3: {  	s28 =	sadd.s32 $0xFFFFFFFE, s25;
	v18 =	vadd.s32 v10, v19;
	v17 =	vld [tilespmem:s24+$0x90]  }
0x2a4: {  	v19 =	vmov s28  }
0x2a5: {  	v19 =	vshrl.u32 v19, $0x3  }
0x2a6: {  	v19 =	vshll.u32 v19, v1  }
0x2a7: {  	v19 =	vbroadcast v19, $0x0  }
0x2a8: {  	[tilespmem:v18+s18+$0x0] =	vst.idx.msk $0xffff, v17  }
0x2a9: {  	v18 =	vadd.s32 v11, v19;
	v17 =	vld [tilespmem:s24+$0xA0];
	_ =	sdelay $0x4  }
0x2aa: {  	[tilespmem:v18+s18+$0x0] =	vst.idx.msk $0xffff, v17  }
0x2ab: {  	s28 =	sadd.s32 $0xFFFFFFFF, s25;
	v18 =	vadd.s32 v12, v19;
	v17 =	vld [tilespmem:s24+$0xB0]  }
0x2ac: {  	v19 =	vmov s28  }
0x2ad: {  	v19 =	vshrl.u32 v19, $0x3  }
0x2ae: {  	v19 =	vshll.u32 v19, v1  }
0x2af: {  	v19 =	vbroadcast v19, $0x0  }
0x2b0: {  	[tilespmem:v18+s18+$0x0] =	vst.idx.msk $0xffff, v17  }
0x2b1: {  	v18 =	vadd.s32 v13, v19;
	v17 =	vld [tilespmem:s24+$0xC0];
	_ =	sdelay $0x4  }
0x2b2: {  	[tilespmem:v18+s18+$0x0] =	vst.idx.msk $0xffff, v17  }
0x2b3: {  	v18 =	vadd.s32 v14, v19;
	v17 =	vld [tilespmem:s24+$0xD0]  }
0x2b4: {  	v19 =	vmov s25;
	s25 =	smov.u32 s26  }
0x2b5: {  	v19 =	vshrl.u32 v19, $0x3  }
0x2b6: {  	v19 =	vshll.u32 v19, v1  }
0x2b7: {  	v19 =	vbroadcast v19, $0x0  }
0x2b8: {  	[tilespmem:v18+s18+$0x0] =	vst.idx.msk $0xffff, v17  }
0x2b9: {  	v18 =	vadd.s32 v15, v19;
	v17 =	vld [tilespmem:s24+$0xE0];
	_ =	sdelay $0x1  }
.Ltmp7:
0x2ba: {  	(pc) =	sbr.rel @p0 .LBB2_11-.Ltmp7, $3  }
0x2bb: {  	_ =	sdelay $0x1  }
0x2bc: {  	[tilespmem:v18+s18+$0x0] =	vst.idx.msk $0xffff, v17  }
0x2bd: {  	s26 =	sadd.s32 $0x10, s26;
	s28 =	sadd.s32 $0xFFFFFFF1, s25;
	v18 =	vadd.s32 v16, v19;
	v17 =	vld [tilespmem:s24+$0xF0]  }
0x2be: {  	v19 =	vmov s28  }
0x2bf: {  	v19 =	vshrl.u32 v19, $0x3  }
0x2c0: {  	v19 =	vshll.u32 v19, v1  }
0x2c1: {  	v19 =	vbroadcast v19, $0x0  }
0x2c2: {  	s24 =	sadd.s32 $0x200, s24;
	[tilespmem:v18+s18+$0x0] =	vst.idx.msk $0xffff, v17  }
0x2c3: {  	v17 =	vld [tilespmem:s24+$0xFFFFFF00];
	v18 =	vadd.s32 v0, v19;
	_ =	sdelay $0x4  }
0x2c4: {  	[tilespmem:v18+s18+$0x0] =	vst.idx.msk $0xffff, v17  }
0x2c5: {  	s26 =	sadd.s32 $0xFFFFFFF2, s25;
	v18 =	vadd.s32 v2, v19;
	v17 =	vld [tilespmem:s24+$0xFFFFFF10]  }
0x2c6: {  	v19 =	vmov s26  }
0x2c7: {  	v19 =	vshrl.u32 v19, $0x3  }
0x2c8: {  	v19 =	vshll.u32 v19, v1  }
0x2c9: {  	v19 =	vbroadcast v19, $0x0  }
0x2ca: {  	[tilespmem:v18+s18+$0x0] =	vst.idx.msk $0xffff, v17  }
0x2cb: {  	v18 =	vadd.s32 v3, v19;
	v17 =	vld [tilespmem:s24+$0xFFFFFF20];
	_ =	sdelay $0x4  }
0x2cc: {  	[tilespmem:v18+s18+$0x0] =	vst.idx.msk $0xffff, v17  }
0x2cd: {  	s31 =	sadd.s32 $0xFFFFFFF3, s25;
	v18 =	vadd.s32 v4, v19;
	v17 =	vld [tilespmem:s24+$0xFFFFFF30]  }
0x2ce: {  	v19 =	vmov s31  }
0x2cf: {  	v19 =	vshrl.u32 v19, $0x3  }
0x2d0: {  	v19 =	vshll.u32 v19, v1  }
0x2d1: {  	v19 =	vbroadcast v19, $0x0  }
0x2d2: {  	[tilespmem:v18+s18+$0x0] =	vst.idx.msk $0xffff, v17  }
0x2d3: {  	v18 =	vadd.s32 v5, v19;
	v17 =	vld [tilespmem:s24+$0xFFFFFF40];
	_ =	sdelay $0x4  }
0x2d4: {  	[tilespmem:v18+s18+$0x0] =	vst.idx.msk $0xffff, v17  }
0x2d5: {  	s29 =	sadd.s32 $0xFFFFFFF4, s25;
	v18 =	vadd.s32 v6, v19;
	v17 =	vld [tilespmem:s24+$0xFFFFFF50]  }
0x2d6: {  	v19 =	vmov s29  }
0x2d7: {  	v19 =	vshrl.u32 v19, $0x3  }
0x2d8: {  	v19 =	vshll.u32 v19, v1  }
0x2d9: {  	v19 =	vbroadcast v19, $0x0  }
0x2da: {  	[tilespmem:v18+s18+$0x0] =	vst.idx.msk $0xffff, v17  }
0x2db: {  	v18 =	vadd.s32 v7, v19;
	v17 =	vld [tilespmem:s24+$0xFFFFFF60];
	_ =	sdelay $0x4  }
0x2dc: {  	[tilespmem:v18+s18+$0x0] =	vst.idx.msk $0xffff, v17  }
0x2dd: {  	s30 =	sadd.s32 $0xFFFFFFF5, s25;
	v18 =	vadd.s32 v8, v19;
	v17 =	vld [tilespmem:s24+$0xFFFFFF70]  }
0x2de: {  	v19 =	vmov s30  }
0x2df: {  	v19 =	vshrl.u32 v19, $0x3  }
0x2e0: {  	v19 =	vshll.u32 v19, v1  }
0x2e1: {  	v19 =	vbroadcast v19, $0x0  }
0x2e2: {  	[tilespmem:v18+s18+$0x0] =	vst.idx.msk $0xffff, v17  }
0x2e3: {  	v18 =	vadd.s32 v9, v19;
	v17 =	vld [tilespmem:s24+$0xFFFFFF80];
	_ =	sdelay $0x4  }
0x2e4: {  	[tilespmem:v18+s18+$0x0] =	vst.idx.msk $0xffff, v17  }
0x2e5: {  	s31 =	sadd.s32 $0xFFFFFFF6, s25;
	v18 =	vadd.s32 v10, v19;
	v17 =	vld [tilespmem:s24+$0xFFFFFF90]  }
0x2e6: {  	v19 =	vmov s31  }
0x2e7: {  	v19 =	vshrl.u32 v19, $0x3  }
0x2e8: {  	v19 =	vshll.u32 v19, v1  }
0x2e9: {  	v19 =	vbroadcast v19, $0x0  }
0x2ea: {  	[tilespmem:v18+s18+$0x0] =	vst.idx.msk $0xffff, v17  }
0x2eb: {  	v18 =	vadd.s32 v11, v19;
	v17 =	vld [tilespmem:s24+$0xFFFFFFA0];
	_ =	sdelay $0x4  }
0x2ec: {  	[tilespmem:v18+s18+$0x0] =	vst.idx.msk $0xffff, v17  }
0x2ed: {  	s29 =	sadd.s32 $0xFFFFFFF7, s25;
	v18 =	vadd.s32 v12, v19;
	v17 =	vld [tilespmem:s24+$0xFFFFFFB0]  }
0x2ee: {  	v19 =	vmov s29  }
0x2ef: {  	v19 =	vshrl.u32 v19, $0x3  }
0x2f0: {  	v19 =	vshll.u32 v19, v1  }
0x2f1: {  	v19 =	vbroadcast v19, $0x0  }
0x2f2: {  	[tilespmem:v18+s18+$0x0] =	vst.idx.msk $0xffff, v17  }
0x2f3: {  	v18 =	vadd.s32 v13, v19;
	v17 =	vld [tilespmem:s24+$0xFFFFFFC0];
	_ =	sdelay $0x4  }
0x2f4: {  	[tilespmem:v18+s18+$0x0] =	vst.idx.msk $0xffff, v17  }
0x2f5: {  	s30 =	sadd.s32 $0xFFFFFFF8, s25;
	v18 =	vadd.s32 v14, v19;
	v17 =	vld [tilespmem:s24+$0xFFFFFFD0]  }
0x2f6: {  	v19 =	vmov s30  }
0x2f7: {  	v19 =	vshrl.u32 v19, $0x3  }
0x2f8: {  	v19 =	vshll.u32 v19, v1  }
0x2f9: {  	v19 =	vbroadcast v19, $0x0  }
0x2fa: {  	[tilespmem:v18+s18+$0x0] =	vst.idx.msk $0xffff, v17  }
0x2fb: {  	v18 =	vadd.s32 v15, v19;
	v17 =	vld [tilespmem:s24+$0xFFFFFFE0];
	_ =	sdelay $0x4  }
0x2fc: {  	[tilespmem:v18+s18+$0x0] =	vst.idx.msk $0xffff, v17  }
0x2fd: {  	s31 =	sadd.s32 $0xFFFFFFF9, s25;
	v18 =	vadd.s32 v16, v19;
	v17 =	vld [tilespmem:s24+$0xFFFFFFF0]  }
0x2fe: {  	v19 =	vmov s31  }
0x2ff: {  	v19 =	vshrl.u32 v19, $0x3  }
0x300: {  	v19 =	vshll.u32 v19, v1  }
0x301: {  	v19 =	vbroadcast v19, $0x0  }
0x302: {  	[tilespmem:v18+s18+$0x0] =	vst.idx.msk $0xffff, v17  }
0x303: {  	v18 =	vadd.s32 v0, v19;
	v17 =	vld [tilespmem:s24+$0x0];
	_ =	sdelay $0x4  }
0x304: {  	[tilespmem:v18+s18+$0x0] =	vst.idx.msk $0xffff, v17  }
0x305: {  	s29 =	sadd.s32 $0xFFFFFFFA, s25;
	v18 =	vadd.s32 v2, v19;
	v17 =	vld [tilespmem:s24+$0x10]  }
0x306: {  	v19 =	vmov s29  }
0x307: {  	v19 =	vshrl.u32 v19, $0x3  }
0x308: {  	v19 =	vshll.u32 v19, v1  }
0x309: {  	v19 =	vbroadcast v19, $0x0  }
0x30a: {  	[tilespmem:v18+s18+$0x0] =	vst.idx.msk $0xffff, v17  }
0x30b: {  	v18 =	vadd.s32 v3, v19;
	v17 =	vld [tilespmem:s24+$0x20];
	_ =	sdelay $0x4  }
0x30c: {  	[tilespmem:v18+s18+$0x0] =	vst.idx.msk $0xffff, v17  }
0x30d: {  	s30 =	sadd.s32 $0xFFFFFFFB, s25;
	v18 =	vadd.s32 v4, v19;
	v17 =	vld [tilespmem:s24+$0x30]  }
0x30e: {  	v19 =	vmov s30  }
0x30f: {  	v19 =	vshrl.u32 v19, $0x3  }
0x310: {  	v19 =	vshll.u32 v19, v1  }
0x311: {  	v19 =	vbroadcast v19, $0x0  }
0x312: {  	[tilespmem:v18+s18+$0x0] =	vst.idx.msk $0xffff, v17  }
0x313: {  	v18 =	vadd.s32 v5, v19;
	v17 =	vld [tilespmem:s24+$0x40];
	_ =	sdelay $0x4  }
0x314: {  	[tilespmem:v18+s18+$0x0] =	vst.idx.msk $0xffff, v17  }
0x315: {  	s31 =	sadd.s32 $0xFFFFFFFC, s25;
	v18 =	vadd.s32 v6, v19;
	v17 =	vld [tilespmem:s24+$0x50]  }
0x316: {  	v19 =	vmov s31  }
0x317: {  	v19 =	vshrl.u32 v19, $0x3  }
0x318: {  	v19 =	vshll.u32 v19, v1  }
0x319: {  	v19 =	vbroadcast v19, $0x0  }
0x31a: {  	[tilespmem:v18+s18+$0x0] =	vst.idx.msk $0xffff, v17  }
0x31b: {  	v18 =	vadd.s32 v7, v19;
	v17 =	vld [tilespmem:s24+$0x60];
	_ =	sdelay $0x4  }
0x31c: {  	[tilespmem:v18+s18+$0x0] =	vst.idx.msk $0xffff, v17  }
0x31d: {  	s29 =	sadd.s32 $0xFFFFFFFD, s25;
	v18 =	vadd.s32 v8, v19;
	v17 =	vld [tilespmem:s24+$0x70]  }
0x31e: {  	v19 =	vmov s29  }
0x31f: {  	v19 =	vshrl.u32 v19, $0x3  }
0x320: {  	v19 =	vshll.u32 v19, v1  }
0x321: {  	v19 =	vbroadcast v19, $0x0  }
0x322: {  	[tilespmem:v18+s18+$0x0] =	vst.idx.msk $0xffff, v17  }
0x323: {  	v18 =	vadd.s32 v9, v19;
	v17 =	vld [tilespmem:s24+$0x80];
	_ =	sdelay $0x4  }
0x324: {  	[tilespmem:v18+s18+$0x0] =	vst.idx.msk $0xffff, v17  }
0x325: {  	s30 =	sadd.s32 $0xFFFFFFFE, s25;
	v18 =	vadd.s32 v10, v19;
	v17 =	vld [tilespmem:s24+$0x90]  }
0x326: {  	v19 =	vmov s30  }
0x327: {  	v19 =	vshrl.u32 v19, $0x3  }
0x328: {  	v19 =	vshll.u32 v19, v1  }
0x329: {  	v19 =	vbroadcast v19, $0x0  }
0x32a: {  	[tilespmem:v18+s18+$0x0] =	vst.idx.msk $0xffff, v17  }
0x32b: {  	v18 =	vadd.s32 v11, v19;
	v17 =	vld [tilespmem:s24+$0xA0];
	_ =	sdelay $0x4  }
0x32c: {  	[tilespmem:v18+s18+$0x0] =	vst.idx.msk $0xffff, v17  }
0x32d: {  	s31 =	sadd.s32 $0xFFFFFFFF, s25;
	v18 =	vadd.s32 v12, v19;
	v17 =	vld [tilespmem:s24+$0xB0]  }
0x32e: {  	v19 =	vmov s31  }
0x32f: {  	v19 =	vshrl.u32 v19, $0x3  }
0x330: {  	v19 =	vshll.u32 v19, v1  }
0x331: {  	v19 =	vbroadcast v19, $0x0  }
0x332: {  	[tilespmem:v18+s18+$0x0] =	vst.idx.msk $0xffff, v17  }
0x333: {  	v18 =	vadd.s32 v13, v19;
	v17 =	vld [tilespmem:s24+$0xC0];
	_ =	sdelay $0x4  }
0x334: {  	[tilespmem:v18+s18+$0x0] =	vst.idx.msk $0xffff, v17  }
0x335: {  	v18 =	vadd.s32 v14, v19;
	v17 =	vld [tilespmem:s24+$0xD0]  }
0x336: {  	v19 =	vmov s25  }
0x337: {  	v19 =	vshrl.u32 v19, $0x3  }
0x338: {  	v19 =	vshll.u32 v19, v1  }
0x339: {  	v19 =	vbroadcast v19, $0x0  }
0x33a: {  	[tilespmem:v18+s18+$0x0] =	vst.idx.msk $0xffff, v17  }
0x33b: {  	v18 =	vadd.s32 v15, v19;
	v17 =	vld [tilespmem:s24+$0xE0];
	_ =	sdelay $0x4  }
0x33c: {  	[tilespmem:v18+s18+$0x0] =	vst.idx.msk $0xffff, v17  }
0x33d: {  	v18 =	vadd.s32 v16, v19;
	v17 =	vld [tilespmem:s24+$0xF0];
	_ =	sdelay $0x2  }
0x33e: {  	s23 =	sadd.s32 s23, s7  }
0x33f: {  	s28 =	sadd.s32 $0x0, s23  }
0x340: {  	s26 =	simm.s32 $0x12708;
	s25 =	simm.s32 $0x800;
	s24 =	simm.s32 $0x12500;
	[tilespmem:v18+s18+$0x0] =	vst.idx.msk $0xffff, v17  }
.LBB2_13:
0x341: {  	[hbm4b:s28+s2] =	stream.linear.scatter [tilespmem:s24], [sflag:$0x4], $0x200, $0x38;
	[tilespmem:$0x16600] =	vst v63  }
0x342: {  	s28 =	smov.u32 s25;
	s24 =	smov.u32 s26;
	p0 =	sne.s32 s25, $0xF800  }
.Ltmp8:
0x343: {  	s25 =	sadd.s32 $0x800, s25;
	(pc) =	sbr.rel @p0 .LBB2_13-.Ltmp8, $2  }
0x344: {  	_ =	sdelay $0x2  }
0x345: {  	s26 =	sadd.s32 $0x208, s26;
	s28 =	sadd.s32 s28, s23  }
0x346: {  	p0 =	seq.s32 s21, $0x18  }
.Ltmp9:
0x347: {  	_ = 	snop;
	(pc) =	sbr.rel @p0 .LBB2_16-.Ltmp9, $2  }
0x348: {  	_ =	sdelay $0x2  }
0x349: {  	[hbm4b:s28+s2] =	stream.linear.scatter [tilespmem:s24], [sflag:$0x4], $0x200, $0x38;
	[tilespmem:$0x16600] =	vst v63  }
.Ltmp10:
0x34a: {  	(pc) =	sbr.rel .LBB2_2-.Ltmp10, $4  }
0x34b: {  	_ = 	snop  }
0x34c: {  	s22 =	sshrl.u32 s22, $0x2  }
0x34d: {  	s21 =	sadd.s32 $0x1, s21;
	s22 =	sadd.s32 $0x600, s22  }
0x34e: {  	[tilespmem:s13], [sflag:$0x2] =	stream.indirect.gather [hbm4b:s3+s9], $0x20, s22, s9, $0xb8;
	[tilespmem:$0x16600] =	vst v63  }
.LBB2_17:
0x34f: {  	_ =	sfence.sel $0x180000  }
0x350: {  	[bflag:$0x0] =	sbarrier.arrive $0xFFFF  }
0x351: {  	p0 =	sne.s32 s1, $0x0;
	_ =	strace $0x90000047  }
0x352: {  	s0 =	sadd.s32 @!p0 $0x100000, s0;
	[bflag:$0x2] =	sbarrier.arrive $0xFFFF  }
0x353: {  	[sflag:s0] =	ssyncadd.tile.s32 @!p0 $0x1;
	_ =	shalt  }
.Lfunc_end2:
_tile_overlayer_lowered:
.L_overlay_start_2:
0x354: {  	(tag) =	ssettag $0x2  }
0x355: {  	s0 =	rddreg [dreg:$0x0];
	s2 =	stileid.u32  }
0x356: {  	s1 =	rddreg [dreg:$0x1];
	p0 =	sne.s32 s2, $0x0  }
0x357: {  	s3 =	rddreg [dreg:$0x2];
	[bflag:$0x3] =	sbarrier.arrive $0xFFFF;
	s2 =	simm.s32 @!p0 $0x1C06  }
0x358: {  	[timem:s3], [sflag:s2] =	dma.local @!p0 [hbm:s0], s1  }
0x359: {  	s0 =	simm.s32 @!p0 $0x6  }
0x35a: {  	_ =	swait.ge @!p0 [sflag:s0], s1  }
0x35b: {  	s1 =	ssub.s32 @!p0 $0x0, s1;
	[sflag:s0] =	ssyncset.done @!p0 $0x0  }
0x35c: {  	[sflag:s0] =	ssyncadd.s32 @!p0 s1  }
0x35d: {  	[bflag:$0x3] =	sbarrier.arrive $0xFFFF  }
0x35e: {  	_ =	shalt  }

</sc_bundles>
